<compile_context>
chip_gen: v7x
topology: tpu7x:2x2x1
jax: 0.10.2.dev20260603
libtpu: 0.0.44.dev20260713+nightly
codegen_flags: <defaults>
</compile_context>

<pallas_src>
import jax
import jax.numpy as jnp
from jax import lax
from jax.experimental import pallas as pl
from jax.experimental.pallas import tpu as pltpu
from jax.experimental.pallas import tpu_sc as plsc

VOCAB = 100000
EMBED = 64
BATCH = 16384
TOK_PER_WORD = 4
TOTAL_TOKENS = BATCH * TOK_PER_WORD

NC = 2
NS = 16
NW = NC * NS
ROWS_PER_W = EMBED // NW

IDS_2D = (TOTAL_TOKENS // 128, 128)
CHUNK_BAGS = 1024
CHUNK_IDS = CHUNK_BAGS * TOK_PER_WORD
CHUNK_IDROWS = CHUNK_IDS // 128
N_CHUNK = BATCH // CHUNK_BAGS
GROUPS = CHUNK_BAGS // 16


def _body(tok_hbm, table_hbm, out_hbm, ids_v, row_v, orow_v, isem0, isem1,
          rsem, osem):
    wid = lax.axis_index("s") * NC + lax.axis_index("c")

    isems = (isem0, isem1)

    def i_copy(c, buf):
        return pltpu.make_async_copy(
            tok_hbm.at[pl.ds(c * CHUNK_IDROWS, CHUNK_IDROWS)],
            ids_v.at[buf],
            isems[buf],
        )

    iota = lax.iota(jnp.int32, 16)
    iota4 = iota * TOK_PER_WORD
    zeros16 = jnp.zeros((16,), jnp.int32)
    quarter = jnp.full((16,), 0.25, jnp.float32)

    for r in range(ROWS_PER_W):
        e = wid * ROWS_PER_W + r
        pltpu.make_async_copy(table_hbm.at[e], row_v, rsem).start()
        i_copy(0, 0).start()
        pltpu.make_async_copy(table_hbm.at[e], row_v, rsem).wait()
        if r > 0:
            pltpu.make_async_copy(orow_v, out_hbm.at[e - 1], osem).wait()

        @pl.loop(0, N_CHUNK, step=2)
        def _chunks(c0):
            for par in range(2):
                c = c0 + par

                @pl.when(c + 1 < N_CHUNK)
                def _prefetch():
                    i_copy(c + 1, 1 - par).start()

                i_copy(c, par).wait()
                ibuf = ids_v.at[par]

                @plsc.parallel_loop(0, GROUPS, step=1, unroll=4)
                def _compute(g):
                    i0 = g >> 1
                    base = (g & 1) * 64
                    acc = None
                    for j in range(TOK_PER_WORD):
                        ids_j = plsc.load_gather(
                            ibuf, [zeros16 + i0, base + iota4 + j]
                        )
                        val = plsc.load_gather(row_v, [ids_j])
                        acc = val if acc is None else acc + val
                    orow_v[pl.ds(c * CHUNK_BAGS + g * 16, 16)] = acc * quarter

        pltpu.make_async_copy(orow_v, out_hbm.at[e], osem).start()

    pltpu.make_async_copy(
        orow_v, out_hbm.at[wid * ROWS_PER_W + ROWS_PER_W - 1], osem
    ).wait()


@jax.jit
def _run(tok2, table_t):
    mesh = plsc.VectorSubcoreMesh(core_axis_name="c", subcore_axis_name="s")
    kfn = pl.kernel(
        _body,
        out_type=jax.ShapeDtypeStruct((EMBED, BATCH), jnp.float32),
        mesh=mesh,
        scratch_types=[
            pltpu.VMEM((2, CHUNK_IDROWS, 128), jnp.int32),
            pltpu.VMEM((VOCAB,), jnp.float32),
            pltpu.VMEM((BATCH,), jnp.float32),
            pltpu.SemaphoreType.DMA,
            pltpu.SemaphoreType.DMA,
            pltpu.SemaphoreType.DMA,
            pltpu.SemaphoreType.DMA,
        ],
        compiler_params=pltpu.CompilerParams(
            use_tc_tiling_on_sc=True, needs_layout_passes=False
        ),
    )
    return kfn(tok2, table_t)


def kernel(token_ids, offsets, table):
    del offsets
    tok2 = jnp.asarray(token_ids, jnp.int32).reshape(IDS_2D)
    out_t = _run(tok2, table.T)
    return out_t.T

# --- scband reference (transcript-rebuilt; emitter-appended) ---
"""Pipeline reference for scband-subword-tokenizer-9483287790137 (READ-ONLY COPY).

The authoritative reference and input builder live on the scoring server;
editing this copy changes nothing except your own understanding.
"""

import jax, jax.numpy as jnp
import numpy as np

VOCAB = 100000
EMBED = 64
BATCH = 16384
TOK_PER_WORD = 4
TOTAL_TOKENS = BATCH * TOK_PER_WORD


def setup_inputs(seed: int = 0) -> dict:
    key = jax.random.key(seed)
    k1, k2 = jax.random.split(key)
    token_ids = jax.random.randint(k1, (TOTAL_TOKENS,), 0, VOCAB, dtype=jnp.int64 if jax.config.jax_enable_x64 else jnp.int32)
    offsets = jnp.arange(BATCH) * TOK_PER_WORD
    # EmbeddingBag weight, init uniform(-0.5, 0.5) per init_weights()
    table = jax.random.uniform(k2, (VOCAB, EMBED), minval=-0.5, maxval=0.5, dtype=jnp.float32)
    return {"token_ids": token_ids, "offsets": offsets, "table": table}


def reference(token_ids, offsets, table):
    # Faithful jax translation of nn.EmbeddingBag(mode='mean') with offsets,
    # which is what subword_tokenizer.forward computes after string->id mapping.
    total = token_ids.shape[0]
    n_bags = offsets.shape[0]
    gathered = jnp.take(table, token_ids, axis=0)  # [total, embed]
    # segment id of each token: index of the bag it belongs to
    seg = jnp.searchsorted(offsets, jnp.arange(total), side='right') - 1
    sums = jax.ops.segment_sum(gathered, seg, num_segments=n_bags)
    counts = jax.ops.segment_sum(jnp.ones((total,), dtype=jnp.float32), seg, num_segments=n_bags)
    encoding = sums / jnp.maximum(counts, 1.0)[:, None]
    return encoding

if __name__ == "__main__":
    import jax
    _d = setup_inputs()
    print(jax.jit(kernel)(*tuple(_d.values())))

</pallas_src>

<mosaic_0001>
#map = affine_map<(d0, d1) -> (0, 0)>
module attributes {stable_mosaic.version = 14 : i64} {
  func.func @_body(%arg0: i32, %arg1: i32, %arg2: memref<512x128xi32, #tpu.memory_space<hbm>>, %arg3: memref<64x100000xf32, #tpu.memory_space<hbm>>, %arg4: memref<64x16384xf32, #tpu.memory_space<hbm>>, %arg5: memref<2x32x128xi32, #tpu.memory_space<vmem>>, %arg6: memref<100000xf32, #tpu.memory_space<vmem>>, %arg7: memref<16384xf32, #tpu.memory_space<vmem>>, %arg8: memref<!tpu.dma_semaphore, #tpu.memory_space<semaphore_mem>>, %arg9: memref<!tpu.dma_semaphore, #tpu.memory_space<semaphore_mem>>, %arg10: memref<!tpu.dma_semaphore, #tpu.memory_space<semaphore_mem>>, %arg11: memref<!tpu.dma_semaphore, #tpu.memory_space<semaphore_mem>>) attributes {dimension_semantics = [#tpu.dimension_semantics<core_parallel>, #tpu.dimension_semantics<subcore_parallel>], iteration_bounds = array<i64: 2, 16>, scalar_prefetch = 0 : i64, scratch_operands = 7 : i64, tpu.core_type = #tpu.core_type<sc_vector_subcore>, window_params = [{transform_indices = #map}, {transform_indices = #map}, {transform_indices = #map}]} {
    %mul3A = arith.constant 2 : i32
    %mul3A_0 = arith.muli %arg1, %mul3A : i32
    %add3A = arith.addi %mul3A_0, %arg0 : i32
    %iota3A = tpu.iota {dimensions = array<i32: 0>} : vector<16xi32>
    %mul3A_1 = arith.constant 4 : i32
    %mul3A_2 = vector.broadcast %mul3A_1 : i32 to vector<16xi32>
    %mul3A_3 = arith.muli %iota3A, %mul3A_2 : vector<16xi32>
    %broadcast_in_dim3A = arith.constant 0 : i32
    %broadcast_in_dim3A_4 = vector.broadcast %broadcast_in_dim3A : i32 to vector<16xi32>
    %broadcast_in_dim3A_5 = arith.constant 2.500000e-01 : f32
    %broadcast_in_dim3A_6 = vector.broadcast %broadcast_in_dim3A_5 : f32 to vector<16xf32>
    %mul3A_7 = arith.constant 2 : i32
    %mul3A_8 = arith.muli %add3A, %mul3A_7 : i32
    %add3A_9 = arith.constant 0 : i32
    %add3A_10 = arith.addi %mul3A_8, %add3A_9 : i32
    %dma_start3A = arith.constant 0 : i32
    %dma_start3A_11 = tpu.memref_slice %arg3[%add3A_10, %dma_start3A] : memref<64x100000xf32, #tpu.memory_space<hbm>> -> memref<1x100000xf32, #tpu.memory_space<hbm>>
    %dma_start3A_12 = tpu.memref_squeeze %dma_start3A_11 : memref<1x100000xf32, #tpu.memory_space<hbm>> -> memref<100000xf32, #tpu.memory_space<hbm>>
    %dma_start3A_13 = arith.constant 0 : i32
    %dma_start3A_14 = tpu.memref_slice %arg3[%add3A_10, %dma_start3A_13] : memref<64x100000xf32, #tpu.memory_space<hbm>> -> memref<1x100000xf32, #tpu.memory_space<hbm>>
    %dma_start3A_15 = tpu.memref_squeeze %dma_start3A_14 : memref<1x100000xf32, #tpu.memory_space<hbm>> -> memref<100000xf32, #tpu.memory_space<hbm>>
    tpu.enqueue_dma source(%dma_start3A_15 : memref<100000xf32, #tpu.memory_space<hbm>>) target(%arg6 : memref<100000xf32, #tpu.memory_space<vmem>>) target_semaphore(%arg10 : memref<!tpu.dma_semaphore, #tpu.memory_space<semaphore_mem>>)
    %dma_start3A_16 = arith.constant 0 : i32
    %dma_start3A_17 = arith.constant 0 : i32
    %dma_start3A_18 = arith.constant 0 : i32
    %dma_start3A_19 = tpu.memref_slice %arg5[%dma_start3A_16, %dma_start3A_17, %dma_start3A_18] : memref<2x32x128xi32, #tpu.memory_space<vmem>> -> memref<1x32x128xi32, #tpu.memory_space<vmem>>
    %dma_start3A_20 = tpu.memref_squeeze %dma_start3A_19 : memref<1x32x128xi32, #tpu.memory_space<vmem>> -> memref<32x128xi32, #tpu.memory_space<vmem>>
    %dma_start3A_21 = arith.constant 0 : i32
    %dma_start3A_22 = arith.constant 0 : i32
    %dma_start3A_23 = tpu.memref_slice %arg2[%dma_start3A_21, %dma_start3A_22] : memref<512x128xi32, #tpu.memory_space<hbm>> -> memref<32x128xi32, #tpu.memory_space<hbm>>
    %dma_start3A_24 = arith.constant 0 : i32
    %dma_start3A_25 = arith.constant 0 : i32
    %dma_start3A_26 = tpu.memref_slice %arg5[%dma_start3A_16, %dma_start3A_24, %dma_start3A_25] : memref<2x32x128xi32, #tpu.memory_space<vmem>> -> memref<1x32x128xi32, #tpu.memory_space<vmem>>
    %dma_start3A_27 = tpu.memref_squeeze %dma_start3A_26 : memref<1x32x128xi32, #tpu.memory_space<vmem>> -> memref<32x128xi32, #tpu.memory_space<vmem>>
    %dma_start3A_28 = arith.constant 0 : i32
    %dma_start3A_29 = arith.constant 0 : i32
    %dma_start3A_30 = tpu.memref_slice %arg2[%dma_start3A_28, %dma_start3A_29] : memref<512x128xi32, #tpu.memory_space<hbm>> -> memref<32x128xi32, #tpu.memory_space<hbm>>
    tpu.enqueue_dma source(%dma_start3A_30 : memref<32x128xi32, #tpu.memory_space<hbm>>) target(%dma_start3A_27 : memref<32x128xi32, #tpu.memory_space<vmem>>) target_semaphore(%arg8 : memref<!tpu.dma_semaphore, #tpu.memory_space<semaphore_mem>>)
    %dma_wait3A = arith.constant 0 : i32
    %dma_wait3A_31 = tpu.memref_slice %arg3[%add3A_10, %dma_wait3A] : memref<64x100000xf32, #tpu.memory_space<hbm>> -> memref<1x100000xf32, #tpu.memory_space<hbm>>
    %dma_wait3A_32 = tpu.memref_squeeze %dma_wait3A_31 : memref<1x100000xf32, #tpu.memory_space<hbm>> -> memref<100000xf32, #tpu.memory_space<hbm>>
    %dma_wait3A_33 = arith.constant 0 : i32
    %dma_wait3A_34 = tpu.memref_slice %arg3[%add3A_10, %dma_wait3A_33] : memref<64x100000xf32, #tpu.memory_space<hbm>> -> memref<1x100000xf32, #tpu.memory_space<hbm>>
    %dma_wait3A_35 = tpu.memref_squeeze %dma_wait3A_34 : memref<1x100000xf32, #tpu.memory_space<hbm>> -> memref<100000xf32, #tpu.memory_space<hbm>>
    tpu.wait_dma2 semaphore(%arg10 : memref<!tpu.dma_semaphore, #tpu.memory_space<semaphore_mem>>) src(%dma_wait3A_35 : memref<100000xf32, #tpu.memory_space<hbm>>) dst(%arg6 : memref<100000xf32, #tpu.memory_space<vmem>>)
    %scan3A = arith.constant 0 : i32
    %scan3A_36 = arith.constant 8 : i32
    %scan3A_37 = arith.addi %scan3A, %scan3A_36 : i32
    %scan3A_38 = arith.constant 1 : i32
    scf.for %scan3A_107 = %scan3A to %scan3A_37 step %scan3A_38  : i32 {
      %mul3A_108 = arith.constant 2 : i32
      %mul3A_109 = arith.muli %scan3A_107, %mul3A_108 : i32
      %add3A_110 = arith.constant 0 : i32
      %add3A_111 = arith.addi %add3A_110, %mul3A_109 : i32
      %add3A_112 = arith.constant 0 : i32
      %add3A_113 = arith.addi %add3A_111, %add3A_112 : i32
      %add3A_114 = arith.constant 1 : i32
      %add3A_115 = arith.addi %add3A_113, %add3A_114 : i32
      %lt3A = arith.constant 16 : i32
      %lt3A_116 = arith.cmpi slt, %add3A_115, %lt3A : i32
      %convert_element_type3A = arith.extui %lt3A_116 : i1 to i32
      %cond3A = arith.constant 0 : i32
      %cond3A_117 = arith.cmpi ne, %convert_element_type3A, %cond3A : i32
      scf.if %cond3A_117 {
        %add3A_164 = arith.constant 1 : i32
        %add3A_165 = arith.addi %add3A_113, %add3A_164 : i32
        %mul3A_166 = arith.constant 32 : i32
        %mul3A_167 = arith.muli %add3A_165, %mul3A_166 : i32
        %dma_start3A_168 = arith.constant 1 : i32
        %dma_start3A_169 = arith.constant 0 : i32
        %dma_start3A_170 = arith.constant 0 : i32
        %dma_start3A_171 = tpu.memref_slice %arg5[%dma_start3A_168, %dma_start3A_169, %dma_start3A_170] : memref<2x32x128xi32, #tpu.memory_space<vmem>> -> memref<1x32x128xi32, #tpu.memory_space<vmem>>
        %dma_start3A_172 = tpu.memref_squeeze %dma_start3A_171 : memref<1x32x128xi32, #tpu.memory_space<vmem>> -> memref<32x128xi32, #tpu.memory_space<vmem>>
        %dma_start3A_173 = arith.constant 0 : i32
        %dma_start3A_174 = tpu.memref_slice %arg2[%mul3A_167, %dma_start3A_173] : memref<512x128xi32, #tpu.memory_space<hbm>> -> memref<32x128xi32, #tpu.memory_space<hbm>>
        %dma_start3A_175 = arith.constant 0 : i32
        %dma_start3A_176 = arith.constant 0 : i32
        %dma_start3A_177 = tpu.memref_slice %arg5[%dma_start3A_168, %dma_start3A_175, %dma_start3A_176] : memref<2x32x128xi32, #tpu.memory_space<vmem>> -> memref<1x32x128xi32, #tpu.memory_space<vmem>>
        %dma_start3A_178 = tpu.memref_squeeze %dma_start3A_177 : memref<1x32x128xi32, #tpu.memory_space<vmem>> -> memref<32x128xi32, #tpu.memory_space<vmem>>
        %dma_start3A_179 = arith.constant 0 : i32
        %dma_start3A_180 = tpu.memref_slice %arg2[%mul3A_167, %dma_start3A_179] : memref<512x128xi32, #tpu.memory_space<hbm>> -> memref<32x128xi32, #tpu.memory_space<hbm>>
        tpu.enqueue_dma source(%dma_start3A_180 : memref<32x128xi32, #tpu.memory_space<hbm>>) target(%dma_start3A_178 : memref<32x128xi32, #tpu.memory_space<vmem>>) target_semaphore(%arg9 : memref<!tpu.dma_semaphore, #tpu.memory_space<semaphore_mem>>)
      } else {
      }
      %mul3A_118 = arith.constant 32 : i32
      %mul3A_119 = arith.muli %add3A_113, %mul3A_118 : i32
      %dma_wait3A_120 = arith.constant 0 : i32
      %dma_wait3A_121 = arith.constant 0 : i32
      %dma_wait3A_122 = arith.constant 0 : i32
      %dma_wait3A_123 = tpu.memref_slice %arg5[%dma_wait3A_120, %dma_wait3A_121, %dma_wait3A_122] : memref<2x32x128xi32, #tpu.memory_space<vmem>> -> memref<1x32x128xi32, #tpu.memory_space<vmem>>
      %dma_wait3A_124 = tpu.memref_squeeze %dma_wait3A_123 : memref<1x32x128xi32, #tpu.memory_space<vmem>> -> memref<32x128xi32, #tpu.memory_space<vmem>>
      %dma_wait3A_125 = arith.constant 0 : i32
      %dma_wait3A_126 = tpu.memref_slice %arg2[%mul3A_119, %dma_wait3A_125] : memref<512x128xi32, #tpu.memory_space<hbm>> -> memref<32x128xi32, #tpu.memory_space<hbm>>
      %dma_wait3A_127 = arith.constant 0 : i32
      %dma_wait3A_128 = arith.constant 0 : i32
      %dma_wait3A_129 = tpu.memref_slice %arg5[%dma_wait3A_120, %dma_wait3A_127, %dma_wait3A_128] : memref<2x32x128xi32, #tpu.memory_space<vmem>> -> memref<1x32x128xi32, #tpu.memory_space<vmem>>
      %dma_wait3A_130 = tpu.memref_squeeze %dma_wait3A_129 : memref<1x32x128xi32, #tpu.memory_space<vmem>> -> memref<32x128xi32, #tpu.memory_space<vmem>>
      %dma_wait3A_131 = arith.constant 0 : i32
      %dma_wait3A_132 = tpu.memref_slice %arg2[%mul3A_119, %dma_wait3A_131] : memref<512x128xi32, #tpu.memory_space<hbm>> -> memref<32x128xi32, #tpu.memory_space<hbm>>
      tpu.wait_dma2 semaphore(%arg8 : memref<!tpu.dma_semaphore, #tpu.memory_space<semaphore_mem>>) src(%dma_wait3A_132 : memref<32x128xi32, #tpu.memory_space<hbm>>) dst(%dma_wait3A_130 : memref<32x128xi32, #tpu.memory_space<vmem>>)
      %parallel_loop3A = arith.constant 0 : i32
      %parallel_loop3A_133 = arith.constant 64 : i32
      %parallel_loop3A_134 = arith.constant 1 : i32
      %parallel_loop3A_135 = arith.constant 0 : i32
      scf.for %parallel_loop3A_164 = %parallel_loop3A to %parallel_loop3A_133 step %parallel_loop3A_134  : i32 {
        %parallel_loop3A_165 = arith.constant 1 : i32
        %parallel_loop3A_166 = arith.shrsi %parallel_loop3A_164, %parallel_loop3A_165 : i32
        %parallel_loop3A_167 = arith.constant 1 : i32
        %parallel_loop3A_168 = arith.andi %parallel_loop3A_164, %parallel_loop3A_167 : i32
        %parallel_loop3A_169 = arith.constant 64 : i32
        %parallel_loop3A_170 = arith.muli %parallel_loop3A_168, %parallel_loop3A_169 : i32
        %parallel_loop3A_171 = vector.broadcast %parallel_loop3A_166 : i32 to vector<16xi32>
        %parallel_loop3A_172 = arith.addi %broadcast_in_dim3A_4, %parallel_loop3A_171 : vector<16xi32>
        %parallel_loop3A_173 = vector.broadcast %parallel_loop3A_170 : i32 to vector<16xi32>
        %parallel_loop3A_174 = arith.addi %parallel_loop3A_173, %mul3A_3 : vector<16xi32>
        %parallel_loop3A_175 = arith.constant 0 : i32
        %parallel_loop3A_176 = vector.broadcast %parallel_loop3A_175 : i32 to vector<16xi32>
        %parallel_loop3A_177 = arith.addi %parallel_loop3A_174, %parallel_loop3A_176 : vector<16xi32>
        %parallel_loop3A_178 = arith.constant 0 : i32
        %parallel_loop3A_179 = arith.constant 0 : i32
        %parallel_loop3A_180 = tpu.memref_slice %arg5[%parallel_loop3A_135, %parallel_loop3A_178, %parallel_loop3A_179] : memref<2x32x128xi32, #tpu.memory_space<vmem>> -> memref<1x32x128xi32, #tpu.memory_space<vmem>>
        %parallel_loop3A_181 = tpu.memref_squeeze %parallel_loop3A_180 : memref<1x32x128xi32, #tpu.memory_space<vmem>> -> memref<32x128xi32, #tpu.memory_space<vmem>>
        %parallel_loop3A_182 = tpu.vector_load_idx %parallel_loop3A_181[%parallel_loop3A_172, %parallel_loop3A_177] : memref<32x128xi32, #tpu.memory_space<vmem>>[vector<16xi32>, vector<16xi32>], vector<16xi32>,
        %parallel_loop3A_183 = tpu.vector_load_idx %arg6[%parallel_loop3A_182] : memref<100000xf32, #tpu.memory_space<vmem>>[vector<16xi32>], vector<16xf32>,
        %parallel_loop3A_184 = vector.broadcast %parallel_loop3A_166 : i32 to vector<16xi32>
        %parallel_loop3A_185 = arith.addi %broadcast_in_dim3A_4, %parallel_loop3A_184 : vector<16xi32>
        %parallel_loop3A_186 = vector.broadcast %parallel_loop3A_170 : i32 to vector<16xi32>
        %parallel_loop3A_187 = arith.addi %parallel_loop3A_186, %mul3A_3 : vector<16xi32>
        %parallel_loop3A_188 = arith.constant 1 : i32
        %parallel_loop3A_189 = vector.broadcast %parallel_loop3A_188 : i32 to vector<16xi32>
        %parallel_loop3A_190 = arith.addi %parallel_loop3A_187, %parallel_loop3A_189 : vector<16xi32>
        %parallel_loop3A_191 = arith.constant 0 : i32
        %parallel_loop3A_192 = arith.constant 0 : i32
        %parallel_loop3A_193 = tpu.memref_slice %arg5[%parallel_loop3A_135, %parallel_loop3A_191, %parallel_loop3A_192] : memref<2x32x128xi32, #tpu.memory_space<vmem>> -> memref<1x32x128xi32, #tpu.memory_space<vmem>>
        %parallel_loop3A_194 = tpu.memref_squeeze %parallel_loop3A_193 : memref<1x32x128xi32, #tpu.memory_space<vmem>> -> memref<32x128xi32, #tpu.memory_space<vmem>>
        %parallel_loop3A_195 = tpu.vector_load_idx %parallel_loop3A_194[%parallel_loop3A_185, %parallel_loop3A_190] : memref<32x128xi32, #tpu.memory_space<vmem>>[vector<16xi32>, vector<16xi32>], vector<16xi32>,
        %parallel_loop3A_196 = tpu.vector_load_idx %arg6[%parallel_loop3A_195] : memref<100000xf32, #tpu.memory_space<vmem>>[vector<16xi32>], vector<16xf32>,
        %parallel_loop3A_197 = arith.addf %parallel_loop3A_183, %parallel_loop3A_196 : vector<16xf32>
        %parallel_loop3A_198 = vector.broadcast %parallel_loop3A_166 : i32 to vector<16xi32>
        %parallel_loop3A_199 = arith.addi %broadcast_in_dim3A_4, %parallel_loop3A_198 : vector<16xi32>
        %parallel_loop3A_200 = vector.broadcast %parallel_loop3A_170 : i32 to vector<16xi32>
        %parallel_loop3A_201 = arith.addi %parallel_loop3A_200, %mul3A_3 : vector<16xi32>
        %parallel_loop3A_202 = arith.constant 2 : i32
        %parallel_loop3A_203 = vector.broadcast %parallel_loop3A_202 : i32 to vector<16xi32>
        %parallel_loop3A_204 = arith.addi %parallel_loop3A_201, %parallel_loop3A_203 : vector<16xi32>
        %parallel_loop3A_205 = arith.constant 0 : i32
        %parallel_loop3A_206 = arith.constant 0 : i32
        %parallel_loop3A_207 = tpu.memref_slice %arg5[%parallel_loop3A_135, %parallel_loop3A_205, %parallel_loop3A_206] : memref<2x32x128xi32, #tpu.memory_space<vmem>> -> memref<1x32x128xi32, #tpu.memory_space<vmem>>
        %parallel_loop3A_208 = tpu.memref_squeeze %parallel_loop3A_207 : memref<1x32x128xi32, #tpu.memory_space<vmem>> -> memref<32x128xi32, #tpu.memory_space<vmem>>
        %parallel_loop3A_209 = tpu.vector_load_idx %parallel_loop3A_208[%parallel_loop3A_199, %parallel_loop3A_204] : memref<32x128xi32, #tpu.memory_space<vmem>>[vector<16xi32>, vector<16xi32>], vector<16xi32>,
        %parallel_loop3A_210 = tpu.vector_load_idx %arg6[%parallel_loop3A_209] : memref<100000xf32, #tpu.memory_space<vmem>>[vector<16xi32>], vector<16xf32>,
        %parallel_loop3A_211 = arith.addf %parallel_loop3A_197, %parallel_loop3A_210 : vector<16xf32>
        %parallel_loop3A_212 = vector.broadcast %parallel_loop3A_166 : i32 to vector<16xi32>
        %parallel_loop3A_213 = arith.addi %broadcast_in_dim3A_4, %parallel_loop3A_212 : vector<16xi32>
        %parallel_loop3A_214 = vector.broadcast %parallel_loop3A_170 : i32 to vector<16xi32>
        %parallel_loop3A_215 = arith.addi %parallel_loop3A_214, %mul3A_3 : vector<16xi32>
        %parallel_loop3A_216 = arith.constant 3 : i32
        %parallel_loop3A_217 = vector.broadcast %parallel_loop3A_216 : i32 to vector<16xi32>
        %parallel_loop3A_218 = arith.addi %parallel_loop3A_215, %parallel_loop3A_217 : vector<16xi32>
        %parallel_loop3A_219 = arith.constant 0 : i32
        %parallel_loop3A_220 = arith.constant 0 : i32
        %parallel_loop3A_221 = tpu.memref_slice %arg5[%parallel_loop3A_135, %parallel_loop3A_219, %parallel_loop3A_220] : memref<2x32x128xi32, #tpu.memory_space<vmem>> -> memref<1x32x128xi32, #tpu.memory_space<vmem>>
        %parallel_loop3A_222 = tpu.memref_squeeze %parallel_loop3A_221 : memref<1x32x128xi32, #tpu.memory_space<vmem>> -> memref<32x128xi32, #tpu.memory_space<vmem>>
        %parallel_loop3A_223 = tpu.vector_load_idx %parallel_loop3A_222[%parallel_loop3A_213, %parallel_loop3A_218] : memref<32x128xi32, #tpu.memory_space<vmem>>[vector<16xi32>, vector<16xi32>], vector<16xi32>,
        %parallel_loop3A_224 = tpu.vector_load_idx %arg6[%parallel_loop3A_223] : memref<100000xf32, #tpu.memory_space<vmem>>[vector<16xi32>], vector<16xf32>,
        %parallel_loop3A_225 = arith.addf %parallel_loop3A_211, %parallel_loop3A_224 : vector<16xf32>
        %parallel_loop3A_226 = arith.mulf %parallel_loop3A_225, %broadcast_in_dim3A_6 : vector<16xf32>
        %parallel_loop3A_227 = arith.constant 1024 : i32
        %parallel_loop3A_228 = arith.muli %add3A_113, %parallel_loop3A_227 : i32
        %parallel_loop3A_229 = arith.constant 16 : i32
        %parallel_loop3A_230 = arith.muli %parallel_loop3A_164, %parallel_loop3A_229 : i32
        %parallel_loop3A_231 = arith.addi %parallel_loop3A_228, %parallel_loop3A_230 : i32
        %parallel_loop3A_232 = arith.index_cast %parallel_loop3A_231 : i32 to index
        %parallel_loop3A_233 = tpu.vector_load %arg7[%parallel_loop3A_232] {strides = array<i32>} : memref<16384xf32, #tpu.memory_space<vmem>>, vector<16xf32>,
        tpu.vector_store %arg7[%parallel_loop3A_232], %parallel_loop3A_226 {strides = array<i32>} : memref<16384xf32, #tpu.memory_space<vmem>>, vector<16xf32>,
      } {sc.loop_unroll_factor = 4 : i64, sc.parallel_access}
      %add3A_136 = arith.constant 1 : i32
      %add3A_137 = arith.addi %add3A_111, %add3A_136 : i32
      %add3A_138 = arith.constant 1 : i32
      %add3A_139 = arith.addi %add3A_137, %add3A_138 : i32
      %lt3A_140 = arith.constant 16 : i32
      %lt3A_141 = arith.cmpi slt, %add3A_139, %lt3A_140 : i32
      %convert_element_type3A_142 = arith.extui %lt3A_141 : i1 to i32
      %cond3A_143 = arith.constant 0 : i32
      %cond3A_144 = arith.cmpi ne, %convert_element_type3A_142, %cond3A_143 : i32
      scf.if %cond3A_144 {
        %add3A_164 = arith.constant 1 : i32
        %add3A_165 = arith.addi %add3A_137, %add3A_164 : i32
        %mul3A_166 = arith.constant 32 : i32
        %mul3A_167 = arith.muli %add3A_165, %mul3A_166 : i32
        %dma_start3A_168 = arith.constant 0 : i32
        %dma_start3A_169 = arith.constant 0 : i32
        %dma_start3A_170 = arith.constant 0 : i32
        %dma_start3A_171 = tpu.memref_slice %arg5[%dma_start3A_168, %dma_start3A_169, %dma_start3A_170] : memref<2x32x128xi32, #tpu.memory_space<vmem>> -> memref<1x32x128xi32, #tpu.memory_space<vmem>>
        %dma_start3A_172 = tpu.memref_squeeze %dma_start3A_171 : memref<1x32x128xi32, #tpu.memory_space<vmem>> -> memref<32x128xi32, #tpu.memory_space<vmem>>
        %dma_start3A_173 = arith.constant 0 : i32
        %dma_start3A_174 = tpu.memref_slice %arg2[%mul3A_167, %dma_start3A_173] : memref<512x128xi32, #tpu.memory_space<hbm>> -> memref<32x128xi32, #tpu.memory_space<hbm>>
        %dma_start3A_175 = arith.constant 0 : i32
        %dma_start3A_176 = arith.constant 0 : i32
        %dma_start3A_177 = tpu.memref_slice %arg5[%dma_start3A_168, %dma_start3A_175, %dma_start3A_176] : memref<2x32x128xi32, #tpu.memory_space<vmem>> -> memref<1x32x128xi32, #tpu.memory_space<vmem>>
        %dma_start3A_178 = tpu.memref_squeeze %dma_start3A_177 : memref<1x32x128xi32, #tpu.memory_space<vmem>> -> memref<32x128xi32, #tpu.memory_space<vmem>>
        %dma_start3A_179 = arith.constant 0 : i32
        %dma_start3A_180 = tpu.memref_slice %arg2[%mul3A_167, %dma_start3A_179] : memref<512x128xi32, #tpu.memory_space<hbm>> -> memref<32x128xi32, #tpu.memory_space<hbm>>
        tpu.enqueue_dma source(%dma_start3A_180 : memref<32x128xi32, #tpu.memory_space<hbm>>) target(%dma_start3A_178 : memref<32x128xi32, #tpu.memory_space<vmem>>) target_semaphore(%arg8 : memref<!tpu.dma_semaphore, #tpu.memory_space<semaphore_mem>>)
      } else {
      }
      %mul3A_145 = arith.constant 32 : i32
      %mul3A_146 = arith.muli %add3A_137, %mul3A_145 : i32
      %dma_wait3A_147 = arith.constant 1 : i32
      %dma_wait3A_148 = arith.constant 0 : i32
      %dma_wait3A_149 = arith.constant 0 : i32
      %dma_wait3A_150 = tpu.memref_slice %arg5[%dma_wait3A_147, %dma_wait3A_148, %dma_wait3A_149] : memref<2x32x128xi32, #tpu.memory_space<vmem>> -> memref<1x32x128xi32, #tpu.memory_space<vmem>>
      %dma_wait3A_151 = tpu.memref_squeeze %dma_wait3A_150 : memref<1x32x128xi32, #tpu.memory_space<vmem>> -> memref<32x128xi32, #tpu.memory_space<vmem>>
      %dma_wait3A_152 = arith.constant 0 : i32
      %dma_wait3A_153 = tpu.memref_slice %arg2[%mul3A_146, %dma_wait3A_152] : memref<512x128xi32, #tpu.memory_space<hbm>> -> memref<32x128xi32, #tpu.memory_space<hbm>>
      %dma_wait3A_154 = arith.constant 0 : i32
      %dma_wait3A_155 = arith.constant 0 : i32
      %dma_wait3A_156 = tpu.memref_slice %arg5[%dma_wait3A_147, %dma_wait3A_154, %dma_wait3A_155] : memref<2x32x128xi32, #tpu.memory_space<vmem>> -> memref<1x32x128xi32, #tpu.memory_space<vmem>>
      %dma_wait3A_157 = tpu.memref_squeeze %dma_wait3A_156 : memref<1x32x128xi32, #tpu.memory_space<vmem>> -> memref<32x128xi32, #tpu.memory_space<vmem>>
      %dma_wait3A_158 = arith.constant 0 : i32
      %dma_wait3A_159 = tpu.memref_slice %arg2[%mul3A_146, %dma_wait3A_158] : memref<512x128xi32, #tpu.memory_space<hbm>> -> memref<32x128xi32, #tpu.memory_space<hbm>>
      tpu.wait_dma2 semaphore(%arg9 : memref<!tpu.dma_semaphore, #tpu.memory_space<semaphore_mem>>) src(%dma_wait3A_159 : memref<32x128xi32, #tpu.memory_space<hbm>>) dst(%dma_wait3A_157 : memref<32x128xi32, #tpu.memory_space<vmem>>)
      %parallel_loop3A_160 = arith.constant 0 : i32
      %parallel_loop3A_161 = arith.constant 64 : i32
      %parallel_loop3A_162 = arith.constant 1 : i32
      %parallel_loop3A_163 = arith.constant 1 : i32
      scf.for %parallel_loop3A_164 = %parallel_loop3A_160 to %parallel_loop3A_161 step %parallel_loop3A_162  : i32 {
        %parallel_loop3A_165 = arith.constant 1 : i32
        %parallel_loop3A_166 = arith.shrsi %parallel_loop3A_164, %parallel_loop3A_165 : i32
        %parallel_loop3A_167 = arith.constant 1 : i32
        %parallel_loop3A_168 = arith.andi %parallel_loop3A_164, %parallel_loop3A_167 : i32
        %parallel_loop3A_169 = arith.constant 64 : i32
        %parallel_loop3A_170 = arith.muli %parallel_loop3A_168, %parallel_loop3A_169 : i32
        %parallel_loop3A_171 = vector.broadcast %parallel_loop3A_166 : i32 to vector<16xi32>
        %parallel_loop3A_172 = arith.addi %broadcast_in_dim3A_4, %parallel_loop3A_171 : vector<16xi32>
        %parallel_loop3A_173 = vector.broadcast %parallel_loop3A_170 : i32 to vector<16xi32>
        %parallel_loop3A_174 = arith.addi %parallel_loop3A_173, %mul3A_3 : vector<16xi32>
        %parallel_loop3A_175 = arith.constant 0 : i32
        %parallel_loop3A_176 = vector.broadcast %parallel_loop3A_175 : i32 to vector<16xi32>
        %parallel_loop3A_177 = arith.addi %parallel_loop3A_174, %parallel_loop3A_176 : vector<16xi32>
        %parallel_loop3A_178 = arith.constant 0 : i32
        %parallel_loop3A_179 = arith.constant 0 : i32
        %parallel_loop3A_180 = tpu.memref_slice %arg5[%parallel_loop3A_163, %parallel_loop3A_178, %parallel_loop3A_179] : memref<2x32x128xi32, #tpu.memory_space<vmem>> -> memref<1x32x128xi32, #tpu.memory_space<vmem>>
        %parallel_loop3A_181 = tpu.memref_squeeze %parallel_loop3A_180 : memref<1x32x128xi32, #tpu.memory_space<vmem>> -> memref<32x128xi32, #tpu.memory_space<vmem>>
        %parallel_loop3A_182 = tpu.vector_load_idx %parallel_loop3A_181[%parallel_loop3A_172, %parallel_loop3A_177] : memref<32x128xi32, #tpu.memory_space<vmem>>[vector<16xi32>, vector<16xi32>], vector<16xi32>,
        %parallel_loop3A_183 = tpu.vector_load_idx %arg6[%parallel_loop3A_182] : memref<100000xf32, #tpu.memory_space<vmem>>[vector<16xi32>], vector<16xf32>,
        %parallel_loop3A_184 = vector.broadcast %parallel_loop3A_166 : i32 to vector<16xi32>
        %parallel_loop3A_185 = arith.addi %broadcast_in_dim3A_4, %parallel_loop3A_184 : vector<16xi32>
        %parallel_loop3A_186 = vector.broadcast %parallel_loop3A_170 : i32 to vector<16xi32>
        %parallel_loop3A_187 = arith.addi %parallel_loop3A_186, %mul3A_3 : vector<16xi32>
        %parallel_loop3A_188 = arith.constant 1 : i32
        %parallel_loop3A_189 = vector.broadcast %parallel_loop3A_188 : i32 to vector<16xi32>
        %parallel_loop3A_190 = arith.addi %parallel_loop3A_187, %parallel_loop3A_189 : vector<16xi32>
        %parallel_loop3A_191 = arith.constant 0 : i32
        %parallel_loop3A_192 = arith.constant 0 : i32
        %parallel_loop3A_193 = tpu.memref_slice %arg5[%parallel_loop3A_163, %parallel_loop3A_191, %parallel_loop3A_192] : memref<2x32x128xi32, #tpu.memory_space<vmem>> -> memref<1x32x128xi32, #tpu.memory_space<vmem>>
        %parallel_loop3A_194 = tpu.memref_squeeze %parallel_loop3A_193 : memref<1x32x128xi32, #tpu.memory_space<vmem>> -> memref<32x128xi32, #tpu.memory_space<vmem>>
        %parallel_loop3A_195 = tpu.vector_load_idx %parallel_loop3A_194[%parallel_loop3A_185, %parallel_loop3A_190] : memref<32x128xi32, #tpu.memory_space<vmem>>[vector<16xi32>, vector<16xi32>], vector<16xi32>,
        %parallel_loop3A_196 = tpu.vector_load_idx %arg6[%parallel_loop3A_195] : memref<100000xf32, #tpu.memory_space<vmem>>[vector<16xi32>], vector<16xf32>,
        %parallel_loop3A_197 = arith.addf %parallel_loop3A_183, %parallel_loop3A_196 : vector<16xf32>
        %parallel_loop3A_198 = vector.broadcast %parallel_loop3A_166 : i32 to vector<16xi32>
        %parallel_loop3A_199 = arith.addi %broadcast_in_dim3A_4, %parallel_loop3A_198 : vector<16xi32>
        %parallel_loop3A_200 = vector.broadcast %parallel_loop3A_170 : i32 to vector<16xi32>
        %parallel_loop3A_201 = arith.addi %parallel_loop3A_200, %mul3A_3 : vector<16xi32>
        %parallel_loop3A_202 = arith.constant 2 : i32
        %parallel_loop3A_203 = vector.broadcast %parallel_loop3A_202 : i32 to vector<16xi32>
        %parallel_loop3A_204 = arith.addi %parallel_loop3A_201, %parallel_loop3A_203 : vector<16xi32>
        %parallel_loop3A_205 = arith.constant 0 : i32
        %parallel_loop3A_206 = arith.constant 0 : i32
        %parallel_loop3A_207 = tpu.memref_slice %arg5[%parallel_loop3A_163, %parallel_loop3A_205, %parallel_loop3A_206] : memref<2x32x128xi32, #tpu.memory_space<vmem>> -> memref<1x32x128xi32, #tpu.memory_space<vmem>>
        %parallel_loop3A_208 = tpu.memref_squeeze %parallel_loop3A_207 : memref<1x32x128xi32, #tpu.memory_space<vmem>> -> memref<32x128xi32, #tpu.memory_space<vmem>>
        %parallel_loop3A_209 = tpu.vector_load_idx %parallel_loop3A_208[%parallel_loop3A_199, %parallel_loop3A_204] : memref<32x128xi32, #tpu.memory_space<vmem>>[vector<16xi32>, vector<16xi32>], vector<16xi32>,
        %parallel_loop3A_210 = tpu.vector_load_idx %arg6[%parallel_loop3A_209] : memref<100000xf32, #tpu.memory_space<vmem>>[vector<16xi32>], vector<16xf32>,
        %parallel_loop3A_211 = arith.addf %parallel_loop3A_197, %parallel_loop3A_210 : vector<16xf32>
        %parallel_loop3A_212 = vector.broadcast %parallel_loop3A_166 : i32 to vector<16xi32>
        %parallel_loop3A_213 = arith.addi %broadcast_in_dim3A_4, %parallel_loop3A_212 : vector<16xi32>
        %parallel_loop3A_214 = vector.broadcast %parallel_loop3A_170 : i32 to vector<16xi32>
        %parallel_loop3A_215 = arith.addi %parallel_loop3A_214, %mul3A_3 : vector<16xi32>
        %parallel_loop3A_216 = arith.constant 3 : i32
        %parallel_loop3A_217 = vector.broadcast %parallel_loop3A_216 : i32 to vector<16xi32>
        %parallel_loop3A_218 = arith.addi %parallel_loop3A_215, %parallel_loop3A_217 : vector<16xi32>
        %parallel_loop3A_219 = arith.constant 0 : i32
        %parallel_loop3A_220 = arith.constant 0 : i32
        %parallel_loop3A_221 = tpu.memref_slice %arg5[%parallel_loop3A_163, %parallel_loop3A_219, %parallel_loop3A_220] : memref<2x32x128xi32, #tpu.memory_space<vmem>> -> memref<1x32x128xi32, #tpu.memory_space<vmem>>
        %parallel_loop3A_222 = tpu.memref_squeeze %parallel_loop3A_221 : memref<1x32x128xi32, #tpu.memory_space<vmem>> -> memref<32x128xi32, #tpu.memory_space<vmem>>
        %parallel_loop3A_223 = tpu.vector_load_idx %parallel_loop3A_222[%parallel_loop3A_213, %parallel_loop3A_218] : memref<32x128xi32, #tpu.memory_space<vmem>>[vector<16xi32>, vector<16xi32>], vector<16xi32>,
        %parallel_loop3A_224 = tpu.vector_load_idx %arg6[%parallel_loop3A_223] : memref<100000xf32, #tpu.memory_space<vmem>>[vector<16xi32>], vector<16xf32>,
        %parallel_loop3A_225 = arith.addf %parallel_loop3A_211, %parallel_loop3A_224 : vector<16xf32>
        %parallel_loop3A_226 = arith.mulf %parallel_loop3A_225, %broadcast_in_dim3A_6 : vector<16xf32>
        %parallel_loop3A_227 = arith.constant 1024 : i32
        %parallel_loop3A_228 = arith.muli %add3A_137, %parallel_loop3A_227 : i32
        %parallel_loop3A_229 = arith.constant 16 : i32
        %parallel_loop3A_230 = arith.muli %parallel_loop3A_164, %parallel_loop3A_229 : i32
        %parallel_loop3A_231 = arith.addi %parallel_loop3A_228, %parallel_loop3A_230 : i32
        %parallel_loop3A_232 = arith.index_cast %parallel_loop3A_231 : i32 to index
        %parallel_loop3A_233 = tpu.vector_load %arg7[%parallel_loop3A_232] {strides = array<i32>} : memref<16384xf32, #tpu.memory_space<vmem>>, vector<16xf32>,
        tpu.vector_store %arg7[%parallel_loop3A_232], %parallel_loop3A_226 {strides = array<i32>} : memref<16384xf32, #tpu.memory_space<vmem>>, vector<16xf32>,
      } {sc.loop_unroll_factor = 4 : i64, sc.parallel_access}
    }
    %scan3A_39 = arith.constant 8 : i32
    %dma_start3A_40 = arith.constant 0 : i32
    %dma_start3A_41 = tpu.memref_slice %arg4[%add3A_10, %dma_start3A_40] : memref<64x16384xf32, #tpu.memory_space<hbm>> -> memref<1x16384xf32, #tpu.memory_space<hbm>>
    %dma_start3A_42 = tpu.memref_squeeze %dma_start3A_41 : memref<1x16384xf32, #tpu.memory_space<hbm>> -> memref<16384xf32, #tpu.memory_space<hbm>>
    %dma_start3A_43 = arith.constant 0 : i32
    %dma_start3A_44 = tpu.memref_slice %arg4[%add3A_10, %dma_start3A_43] : memref<64x16384xf32, #tpu.memory_space<hbm>> -> memref<1x16384xf32, #tpu.memory_space<hbm>>
    %dma_start3A_45 = tpu.memref_squeeze %dma_start3A_44 : memref<1x16384xf32, #tpu.memory_space<hbm>> -> memref<16384xf32, #tpu.memory_space<hbm>>
    tpu.enqueue_dma source(%arg7 : memref<16384xf32, #tpu.memory_space<vmem>>) target(%dma_start3A_45 : memref<16384xf32, #tpu.memory_space<hbm>>) target_semaphore(%arg11 : memref<!tpu.dma_semaphore, #tpu.memory_space<semaphore_mem>>)
    %mul3A_46 = arith.constant 2 : i32
    %mul3A_47 = arith.muli %add3A, %mul3A_46 : i32
    %add3A_48 = arith.constant 1 : i32
    %add3A_49 = arith.addi %mul3A_47, %add3A_48 : i32
    %dma_start3A_50 = arith.constant 0 : i32
    %dma_start3A_51 = tpu.memref_slice %arg3[%add3A_49, %dma_start3A_50] : memref<64x100000xf32, #tpu.memory_space<hbm>> -> memref<1x100000xf32, #tpu.memory_space<hbm>>
    %dma_start3A_52 = tpu.memref_squeeze %dma_start3A_51 : memref<1x100000xf32, #tpu.memory_space<hbm>> -> memref<100000xf32, #tpu.memory_space<hbm>>
    %dma_start3A_53 = arith.constant 0 : i32
    %dma_start3A_54 = tpu.memref_slice %arg3[%add3A_49, %dma_start3A_53] : memref<64x100000xf32, #tpu.memory_space<hbm>> -> memref<1x100000xf32, #tpu.memory_space<hbm>>
    %dma_start3A_55 = tpu.memref_squeeze %dma_start3A_54 : memref<1x100000xf32, #tpu.memory_space<hbm>> -> memref<100000xf32, #tpu.memory_space<hbm>>
    tpu.enqueue_dma source(%dma_start3A_55 : memref<100000xf32, #tpu.memory_space<hbm>>) target(%arg6 : memref<100000xf32, #tpu.memory_space<vmem>>) target_semaphore(%arg10 : memref<!tpu.dma_semaphore, #tpu.memory_space<semaphore_mem>>)
    %dma_start3A_56 = arith.constant 0 : i32
    %dma_start3A_57 = arith.constant 0 : i32
    %dma_start3A_58 = arith.constant 0 : i32
    %dma_start3A_59 = tpu.memref_slice %arg5[%dma_start3A_56, %dma_start3A_57, %dma_start3A_58] : memref<2x32x128xi32, #tpu.memory_space<vmem>> -> memref<1x32x128xi32, #tpu.memory_space<vmem>>
    %dma_start3A_60 = tpu.memref_squeeze %dma_start3A_59 : memref<1x32x128xi32, #tpu.memory_space<vmem>> -> memref<32x128xi32, #tpu.memory_space<vmem>>
    %dma_start3A_61 = arith.constant 0 : i32
    %dma_start3A_62 = arith.constant 0 : i32
    %dma_start3A_63 = tpu.memref_slice %arg2[%dma_start3A_61, %dma_start3A_62] : memref<512x128xi32, #tpu.memory_space<hbm>> -> memref<32x128xi32, #tpu.memory_space<hbm>>
    %dma_start3A_64 = arith.constant 0 : i32
    %dma_start3A_65 = arith.constant 0 : i32
    %dma_start3A_66 = tpu.memref_slice %arg5[%dma_start3A_56, %dma_start3A_64, %dma_start3A_65] : memref<2x32x128xi32, #tpu.memory_space<vmem>> -> memref<1x32x128xi32, #tpu.memory_space<vmem>>
    %dma_start3A_67 = tpu.memref_squeeze %dma_start3A_66 : memref<1x32x128xi32, #tpu.memory_space<vmem>> -> memref<32x128xi32, #tpu.memory_space<vmem>>
    %dma_start3A_68 = arith.constant 0 : i32
    %dma_start3A_69 = arith.constant 0 : i32
    %dma_start3A_70 = tpu.memref_slice %arg2[%dma_start3A_68, %dma_start3A_69] : memref<512x128xi32, #tpu.memory_space<hbm>> -> memref<32x128xi32, #tpu.memory_space<hbm>>
    tpu.enqueue_dma source(%dma_start3A_70 : memref<32x128xi32, #tpu.memory_space<hbm>>) target(%dma_start3A_67 : memref<32x128xi32, #tpu.memory_space<vmem>>) target_semaphore(%arg8 : memref<!tpu.dma_semaphore, #tpu.memory_space<semaphore_mem>>)
    %dma_wait3A_71 = arith.constant 0 : i32
    %dma_wait3A_72 = tpu.memref_slice %arg3[%add3A_49, %dma_wait3A_71] : memref<64x100000xf32, #tpu.memory_space<hbm>> -> memref<1x100000xf32, #tpu.memory_space<hbm>>
    %dma_wait3A_73 = tpu.memref_squeeze %dma_wait3A_72 : memref<1x100000xf32, #tpu.memory_space<hbm>> -> memref<100000xf32, #tpu.memory_space<hbm>>
    %dma_wait3A_74 = arith.constant 0 : i32
    %dma_wait3A_75 = tpu.memref_slice %arg3[%add3A_49, %dma_wait3A_74] : memref<64x100000xf32, #tpu.memory_space<hbm>> -> memref<1x100000xf32, #tpu.memory_space<hbm>>
    %dma_wait3A_76 = tpu.memref_squeeze %dma_wait3A_75 : memref<1x100000xf32, #tpu.memory_space<hbm>> -> memref<100000xf32, #tpu.memory_space<hbm>>
    tpu.wait_dma2 semaphore(%arg10 : memref<!tpu.dma_semaphore, #tpu.memory_space<semaphore_mem>>) src(%dma_wait3A_76 : memref<100000xf32, #tpu.memory_space<hbm>>) dst(%arg6 : memref<100000xf32, #tpu.memory_space<vmem>>)
    %sub3A = arith.constant 1 : i32
    %sub3A_77 = arith.subi %add3A_49, %sub3A : i32
    %dma_wait3A_78 = arith.constant 0 : i32
    %dma_wait3A_79 = tpu.memref_slice %arg4[%sub3A_77, %dma_wait3A_78] : memref<64x16384xf32, #tpu.memory_space<hbm>> -> memref<1x16384xf32, #tpu.memory_space<hbm>>
    %dma_wait3A_80 = tpu.memref_squeeze %dma_wait3A_79 : memref<1x16384xf32, #tpu.memory_space<hbm>> -> memref<16384xf32, #tpu.memory_space<hbm>>
    %dma_wait3A_81 = arith.constant 0 : i32
    %dma_wait3A_82 = tpu.memref_slice %arg4[%sub3A_77, %dma_wait3A_81] : memref<64x16384xf32, #tpu.memory_space<hbm>> -> memref<1x16384xf32, #tpu.memory_space<hbm>>
    %dma_wait3A_83 = tpu.memref_squeeze %dma_wait3A_82 : memref<1x16384xf32, #tpu.memory_space<hbm>> -> memref<16384xf32, #tpu.memory_space<hbm>>
    tpu.wait_dma2 semaphore(%arg11 : memref<!tpu.dma_semaphore, #tpu.memory_space<semaphore_mem>>) src(%arg7 : memref<16384xf32, #tpu.memory_space<vmem>>) dst(%dma_wait3A_83 : memref<16384xf32, #tpu.memory_space<hbm>>)
    %scan3A_84 = arith.constant 0 : i32
    %scan3A_85 = arith.constant 8 : i32
    %scan3A_86 = arith.addi %scan3A_84, %scan3A_85 : i32
    %scan3A_87 = arith.constant 1 : i32
    scf.for %scan3A_107 = %scan3A_84 to %scan3A_86 step %scan3A_87  : i32 {
      %mul3A_108 = arith.constant 2 : i32
      %mul3A_109 = arith.muli %scan3A_107, %mul3A_108 : i32
      %add3A_110 = arith.constant 0 : i32
      %add3A_111 = arith.addi %add3A_110, %mul3A_109 : i32
      %add3A_112 = arith.constant 0 : i32
      %add3A_113 = arith.addi %add3A_111, %add3A_112 : i32
      %add3A_114 = arith.constant 1 : i32
      %add3A_115 = arith.addi %add3A_113, %add3A_114 : i32
      %lt3A = arith.constant 16 : i32
      %lt3A_116 = arith.cmpi slt, %add3A_115, %lt3A : i32
      %convert_element_type3A = arith.extui %lt3A_116 : i1 to i32
      %cond3A = arith.constant 0 : i32
      %cond3A_117 = arith.cmpi ne, %convert_element_type3A, %cond3A : i32
      scf.if %cond3A_117 {
        %add3A_164 = arith.constant 1 : i32
        %add3A_165 = arith.addi %add3A_113, %add3A_164 : i32
        %mul3A_166 = arith.constant 32 : i32
        %mul3A_167 = arith.muli %add3A_165, %mul3A_166 : i32
        %dma_start3A_168 = arith.constant 1 : i32
        %dma_start3A_169 = arith.constant 0 : i32
        %dma_start3A_170 = arith.constant 0 : i32
        %dma_start3A_171 = tpu.memref_slice %arg5[%dma_start3A_168, %dma_start3A_169, %dma_start3A_170] : memref<2x32x128xi32, #tpu.memory_space<vmem>> -> memref<1x32x128xi32, #tpu.memory_space<vmem>>
        %dma_start3A_172 = tpu.memref_squeeze %dma_start3A_171 : memref<1x32x128xi32, #tpu.memory_space<vmem>> -> memref<32x128xi32, #tpu.memory_space<vmem>>
        %dma_start3A_173 = arith.constant 0 : i32
        %dma_start3A_174 = tpu.memref_slice %arg2[%mul3A_167, %dma_start3A_173] : memref<512x128xi32, #tpu.memory_space<hbm>> -> memref<32x128xi32, #tpu.memory_space<hbm>>
        %dma_start3A_175 = arith.constant 0 : i32
        %dma_start3A_176 = arith.constant 0 : i32
        %dma_start3A_177 = tpu.memref_slice %arg5[%dma_start3A_168, %dma_start3A_175, %dma_start3A_176] : memref<2x32x128xi32, #tpu.memory_space<vmem>> -> memref<1x32x128xi32, #tpu.memory_space<vmem>>
        %dma_start3A_178 = tpu.memref_squeeze %dma_start3A_177 : memref<1x32x128xi32, #tpu.memory_space<vmem>> -> memref<32x128xi32, #tpu.memory_space<vmem>>
        %dma_start3A_179 = arith.constant 0 : i32
        %dma_start3A_180 = tpu.memref_slice %arg2[%mul3A_167, %dma_start3A_179] : memref<512x128xi32, #tpu.memory_space<hbm>> -> memref<32x128xi32, #tpu.memory_space<hbm>>
        tpu.enqueue_dma source(%dma_start3A_180 : memref<32x128xi32, #tpu.memory_space<hbm>>) target(%dma_start3A_178 : memref<32x128xi32, #tpu.memory_space<vmem>>) target_semaphore(%arg9 : memref<!tpu.dma_semaphore, #tpu.memory_space<semaphore_mem>>)
      } else {
      }
      %mul3A_118 = arith.constant 32 : i32
      %mul3A_119 = arith.muli %add3A_113, %mul3A_118 : i32
      %dma_wait3A_120 = arith.constant 0 : i32
      %dma_wait3A_121 = arith.constant 0 : i32
      %dma_wait3A_122 = arith.constant 0 : i32
      %dma_wait3A_123 = tpu.memref_slice %arg5[%dma_wait3A_120, %dma_wait3A_121, %dma_wait3A_122] : memref<2x32x128xi32, #tpu.memory_space<vmem>> -> memref<1x32x128xi32, #tpu.memory_space<vmem>>
      %dma_wait3A_124 = tpu.memref_squeeze %dma_wait3A_123 : memref<1x32x128xi32, #tpu.memory_space<vmem>> -> memref<32x128xi32, #tpu.memory_space<vmem>>
      %dma_wait3A_125 = arith.constant 0 : i32
      %dma_wait3A_126 = tpu.memref_slice %arg2[%mul3A_119, %dma_wait3A_125] : memref<512x128xi32, #tpu.memory_space<hbm>> -> memref<32x128xi32, #tpu.memory_space<hbm>>
      %dma_wait3A_127 = arith.constant 0 : i32
      %dma_wait3A_128 = arith.constant 0 : i32
      %dma_wait3A_129 = tpu.memref_slice %arg5[%dma_wait3A_120, %dma_wait3A_127, %dma_wait3A_128] : memref<2x32x128xi32, #tpu.memory_space<vmem>> -> memref<1x32x128xi32, #tpu.memory_space<vmem>>
      %dma_wait3A_130 = tpu.memref_squeeze %dma_wait3A_129 : memref<1x32x128xi32, #tpu.memory_space<vmem>> -> memref<32x128xi32, #tpu.memory_space<vmem>>
      %dma_wait3A_131 = arith.constant 0 : i32
      %dma_wait3A_132 = tpu.memref_slice %arg2[%mul3A_119, %dma_wait3A_131] : memref<512x128xi32, #tpu.memory_space<hbm>> -> memref<32x128xi32, #tpu.memory_space<hbm>>
      tpu.wait_dma2 semaphore(%arg8 : memref<!tpu.dma_semaphore, #tpu.memory_space<semaphore_mem>>) src(%dma_wait3A_132 : memref<32x128xi32, #tpu.memory_space<hbm>>) dst(%dma_wait3A_130 : memref<32x128xi32, #tpu.memory_space<vmem>>)
      %parallel_loop3A = arith.constant 0 : i32
      %parallel_loop3A_133 = arith.constant 64 : i32
      %parallel_loop3A_134 = arith.constant 1 : i32
      %parallel_loop3A_135 = arith.constant 0 : i32
      scf.for %parallel_loop3A_164 = %parallel_loop3A to %parallel_loop3A_133 step %parallel_loop3A_134  : i32 {
        %parallel_loop3A_165 = arith.constant 1 : i32
        %parallel_loop3A_166 = arith.shrsi %parallel_loop3A_164, %parallel_loop3A_165 : i32
        %parallel_loop3A_167 = arith.constant 1 : i32
        %parallel_loop3A_168 = arith.andi %parallel_loop3A_164, %parallel_loop3A_167 : i32
        %parallel_loop3A_169 = arith.constant 64 : i32
        %parallel_loop3A_170 = arith.muli %parallel_loop3A_168, %parallel_loop3A_169 : i32
        %parallel_loop3A_171 = vector.broadcast %parallel_loop3A_166 : i32 to vector<16xi32>
        %parallel_loop3A_172 = arith.addi %broadcast_in_dim3A_4, %parallel_loop3A_171 : vector<16xi32>
        %parallel_loop3A_173 = vector.broadcast %parallel_loop3A_170 : i32 to vector<16xi32>
        %parallel_loop3A_174 = arith.addi %parallel_loop3A_173, %mul3A_3 : vector<16xi32>
        %parallel_loop3A_175 = arith.constant 0 : i32
        %parallel_loop3A_176 = vector.broadcast %parallel_loop3A_175 : i32 to vector<16xi32>
        %parallel_loop3A_177 = arith.addi %parallel_loop3A_174, %parallel_loop3A_176 : vector<16xi32>
        %parallel_loop3A_178 = arith.constant 0 : i32
        %parallel_loop3A_179 = arith.constant 0 : i32
        %parallel_loop3A_180 = tpu.memref_slice %arg5[%parallel_loop3A_135, %parallel_loop3A_178, %parallel_loop3A_179] : memref<2x32x128xi32, #tpu.memory_space<vmem>> -> memref<1x32x128xi32, #tpu.memory_space<vmem>>
        %parallel_loop3A_181 = tpu.memref_squeeze %parallel_loop3A_180 : memref<1x32x128xi32, #tpu.memory_space<vmem>> -> memref<32x128xi32, #tpu.memory_space<vmem>>
        %parallel_loop3A_182 = tpu.vector_load_idx %parallel_loop3A_181[%parallel_loop3A_172, %parallel_loop3A_177] : memref<32x128xi32, #tpu.memory_space<vmem>>[vector<16xi32>, vector<16xi32>], vector<16xi32>,
        %parallel_loop3A_183 = tpu.vector_load_idx %arg6[%parallel_loop3A_182] : memref<100000xf32, #tpu.memory_space<vmem>>[vector<16xi32>], vector<16xf32>,
        %parallel_loop3A_184 = vector.broadcast %parallel_loop3A_166 : i32 to vector<16xi32>
        %parallel_loop3A_185 = arith.addi %broadcast_in_dim3A_4, %parallel_loop3A_184 : vector<16xi32>
        %parallel_loop3A_186 = vector.broadcast %parallel_loop3A_170 : i32 to vector<16xi32>
        %parallel_loop3A_187 = arith.addi %parallel_loop3A_186, %mul3A_3 : vector<16xi32>
        %parallel_loop3A_188 = arith.constant 1 : i32
        %parallel_loop3A_189 = vector.broadcast %parallel_loop3A_188 : i32 to vector<16xi32>
        %parallel_loop3A_190 = arith.addi %parallel_loop3A_187, %parallel_loop3A_189 : vector<16xi32>
        %parallel_loop3A_191 = arith.constant 0 : i32
        %parallel_loop3A_192 = arith.constant 0 : i32
        %parallel_loop3A_193 = tpu.memref_slice %arg5[%parallel_loop3A_135, %parallel_loop3A_191, %parallel_loop3A_192] : memref<2x32x128xi32, #tpu.memory_space<vmem>> -> memref<1x32x128xi32, #tpu.memory_space<vmem>>
        %parallel_loop3A_194 = tpu.memref_squeeze %parallel_loop3A_193 : memref<1x32x128xi32, #tpu.memory_space<vmem>> -> memref<32x128xi32, #tpu.memory_space<vmem>>
        %parallel_loop3A_195 = tpu.vector_load_idx %parallel_loop3A_194[%parallel_loop3A_185, %parallel_loop3A_190] : memref<32x128xi32, #tpu.memory_space<vmem>>[vector<16xi32>, vector<16xi32>], vector<16xi32>,
        %parallel_loop3A_196 = tpu.vector_load_idx %arg6[%parallel_loop3A_195] : memref<100000xf32, #tpu.memory_space<vmem>>[vector<16xi32>], vector<16xf32>,
        %parallel_loop3A_197 = arith.addf %parallel_loop3A_183, %parallel_loop3A_196 : vector<16xf32>
        %parallel_loop3A_198 = vector.broadcast %parallel_loop3A_166 : i32 to vector<16xi32>
        %parallel_loop3A_199 = arith.addi %broadcast_in_dim3A_4, %parallel_loop3A_198 : vector<16xi32>
        %parallel_loop3A_200 = vector.broadcast %parallel_loop3A_170 : i32 to vector<16xi32>
        %parallel_loop3A_201 = arith.addi %parallel_loop3A_200, %mul3A_3 : vector<16xi32>
        %parallel_loop3A_202 = arith.constant 2 : i32
        %parallel_loop3A_203 = vector.broadcast %parallel_loop3A_202 : i32 to vector<16xi32>
        %parallel_loop3A_204 = arith.addi %parallel_loop3A_201, %parallel_loop3A_203 : vector<16xi32>
        %parallel_loop3A_205 = arith.constant 0 : i32
        %parallel_loop3A_206 = arith.constant 0 : i32
        %parallel_loop3A_207 = tpu.memref_slice %arg5[%parallel_loop3A_135, %parallel_loop3A_205, %parallel_loop3A_206] : memref<2x32x128xi32, #tpu.memory_space<vmem>> -> memref<1x32x128xi32, #tpu.memory_space<vmem>>
        %parallel_loop3A_208 = tpu.memref_squeeze %parallel_loop3A_207 : memref<1x32x128xi32, #tpu.memory_space<vmem>> -> memref<32x128xi32, #tpu.memory_space<vmem>>
        %parallel_loop3A_209 = tpu.vector_load_idx %parallel_loop3A_208[%parallel_loop3A_199, %parallel_loop3A_204] : memref<32x128xi32, #tpu.memory_space<vmem>>[vector<16xi32>, vector<16xi32>], vector<16xi32>,
        %parallel_loop3A_210 = tpu.vector_load_idx %arg6[%parallel_loop3A_209] : memref<100000xf32, #tpu.memory_space<vmem>>[vector<16xi32>], vector<16xf32>,
        %parallel_loop3A_211 = arith.addf %parallel_loop3A_197, %parallel_loop3A_210 : vector<16xf32>
        %parallel_loop3A_212 = vector.broadcast %parallel_loop3A_166 : i32 to vector<16xi32>
        %parallel_loop3A_213 = arith.addi %broadcast_in_dim3A_4, %parallel_loop3A_212 : vector<16xi32>
        %parallel_loop3A_214 = vector.broadcast %parallel_loop3A_170 : i32 to vector<16xi32>
        %parallel_loop3A_215 = arith.addi %parallel_loop3A_214, %mul3A_3 : vector<16xi32>
        %parallel_loop3A_216 = arith.constant 3 : i32
        %parallel_loop3A_217 = vector.broadcast %parallel_loop3A_216 : i32 to vector<16xi32>
        %parallel_loop3A_218 = arith.addi %parallel_loop3A_215, %parallel_loop3A_217 : vector<16xi32>
        %parallel_loop3A_219 = arith.constant 0 : i32
        %parallel_loop3A_220 = arith.constant 0 : i32
        %parallel_loop3A_221 = tpu.memref_slice %arg5[%parallel_loop3A_135, %parallel_loop3A_219, %parallel_loop3A_220] : memref<2x32x128xi32, #tpu.memory_space<vmem>> -> memref<1x32x128xi32, #tpu.memory_space<vmem>>
        %parallel_loop3A_222 = tpu.memref_squeeze %parallel_loop3A_221 : memref<1x32x128xi32, #tpu.memory_space<vmem>> -> memref<32x128xi32, #tpu.memory_space<vmem>>
        %parallel_loop3A_223 = tpu.vector_load_idx %parallel_loop3A_222[%parallel_loop3A_213, %parallel_loop3A_218] : memref<32x128xi32, #tpu.memory_space<vmem>>[vector<16xi32>, vector<16xi32>], vector<16xi32>,
        %parallel_loop3A_224 = tpu.vector_load_idx %arg6[%parallel_loop3A_223] : memref<100000xf32, #tpu.memory_space<vmem>>[vector<16xi32>], vector<16xf32>,
        %parallel_loop3A_225 = arith.addf %parallel_loop3A_211, %parallel_loop3A_224 : vector<16xf32>
        %parallel_loop3A_226 = arith.mulf %parallel_loop3A_225, %broadcast_in_dim3A_6 : vector<16xf32>
        %parallel_loop3A_227 = arith.constant 1024 : i32
        %parallel_loop3A_228 = arith.muli %add3A_113, %parallel_loop3A_227 : i32
        %parallel_loop3A_229 = arith.constant 16 : i32
        %parallel_loop3A_230 = arith.muli %parallel_loop3A_164, %parallel_loop3A_229 : i32
        %parallel_loop3A_231 = arith.addi %parallel_loop3A_228, %parallel_loop3A_230 : i32
        %parallel_loop3A_232 = arith.index_cast %parallel_loop3A_231 : i32 to index
        %parallel_loop3A_233 = tpu.vector_load %arg7[%parallel_loop3A_232] {strides = array<i32>} : memref<16384xf32, #tpu.memory_space<vmem>>, vector<16xf32>,
        tpu.vector_store %arg7[%parallel_loop3A_232], %parallel_loop3A_226 {strides = array<i32>} : memref<16384xf32, #tpu.memory_space<vmem>>, vector<16xf32>,
      } {sc.loop_unroll_factor = 4 : i64, sc.parallel_access}
      %add3A_136 = arith.constant 1 : i32
      %add3A_137 = arith.addi %add3A_111, %add3A_136 : i32
      %add3A_138 = arith.constant 1 : i32
      %add3A_139 = arith.addi %add3A_137, %add3A_138 : i32
      %lt3A_140 = arith.constant 16 : i32
      %lt3A_141 = arith.cmpi slt, %add3A_139, %lt3A_140 : i32
      %convert_element_type3A_142 = arith.extui %lt3A_141 : i1 to i32
      %cond3A_143 = arith.constant 0 : i32
      %cond3A_144 = arith.cmpi ne, %convert_element_type3A_142, %cond3A_143 : i32
      scf.if %cond3A_144 {
        %add3A_164 = arith.constant 1 : i32
        %add3A_165 = arith.addi %add3A_137, %add3A_164 : i32
        %mul3A_166 = arith.constant 32 : i32
        %mul3A_167 = arith.muli %add3A_165, %mul3A_166 : i32
        %dma_start3A_168 = arith.constant 0 : i32
        %dma_start3A_169 = arith.constant 0 : i32
        %dma_start3A_170 = arith.constant 0 : i32
        %dma_start3A_171 = tpu.memref_slice %arg5[%dma_start3A_168, %dma_start3A_169, %dma_start3A_170] : memref<2x32x128xi32, #tpu.memory_space<vmem>> -> memref<1x32x128xi32, #tpu.memory_space<vmem>>
        %dma_start3A_172 = tpu.memref_squeeze %dma_start3A_171 : memref<1x32x128xi32, #tpu.memory_space<vmem>> -> memref<32x128xi32, #tpu.memory_space<vmem>>
        %dma_start3A_173 = arith.constant 0 : i32
        %dma_start3A_174 = tpu.memref_slice %arg2[%mul3A_167, %dma_start3A_173] : memref<512x128xi32, #tpu.memory_space<hbm>> -> memref<32x128xi32, #tpu.memory_space<hbm>>
        %dma_start3A_175 = arith.constant 0 : i32
        %dma_start3A_176 = arith.constant 0 : i32
        %dma_start3A_177 = tpu.memref_slice %arg5[%dma_start3A_168, %dma_start3A_175, %dma_start3A_176] : memref<2x32x128xi32, #tpu.memory_space<vmem>> -> memref<1x32x128xi32, #tpu.memory_space<vmem>>
        %dma_start3A_178 = tpu.memref_squeeze %dma_start3A_177 : memref<1x32x128xi32, #tpu.memory_space<vmem>> -> memref<32x128xi32, #tpu.memory_space<vmem>>
        %dma_start3A_179 = arith.constant 0 : i32
        %dma_start3A_180 = tpu.memref_slice %arg2[%mul3A_167, %dma_start3A_179] : memref<512x128xi32, #tpu.memory_space<hbm>> -> memref<32x128xi32, #tpu.memory_space<hbm>>
        tpu.enqueue_dma source(%dma_start3A_180 : memref<32x128xi32, #tpu.memory_space<hbm>>) target(%dma_start3A_178 : memref<32x128xi32, #tpu.memory_space<vmem>>) target_semaphore(%arg8 : memref<!tpu.dma_semaphore, #tpu.memory_space<semaphore_mem>>)
      } else {
      }
      %mul3A_145 = arith.constant 32 : i32
      %mul3A_146 = arith.muli %add3A_137, %mul3A_145 : i32
      %dma_wait3A_147 = arith.constant 1 : i32
      %dma_wait3A_148 = arith.constant 0 : i32
      %dma_wait3A_149 = arith.constant 0 : i32
      %dma_wait3A_150 = tpu.memref_slice %arg5[%dma_wait3A_147, %dma_wait3A_148, %dma_wait3A_149] : memref<2x32x128xi32, #tpu.memory_space<vmem>> -> memref<1x32x128xi32, #tpu.memory_space<vmem>>
      %dma_wait3A_151 = tpu.memref_squeeze %dma_wait3A_150 : memref<1x32x128xi32, #tpu.memory_space<vmem>> -> memref<32x128xi32, #tpu.memory_space<vmem>>
      %dma_wait3A_152 = arith.constant 0 : i32
      %dma_wait3A_153 = tpu.memref_slice %arg2[%mul3A_146, %dma_wait3A_152] : memref<512x128xi32, #tpu.memory_space<hbm>> -> memref<32x128xi32, #tpu.memory_space<hbm>>
      %dma_wait3A_154 = arith.constant 0 : i32
      %dma_wait3A_155 = arith.constant 0 : i32
      %dma_wait3A_156 = tpu.memref_slice %arg5[%dma_wait3A_147, %dma_wait3A_154, %dma_wait3A_155] : memref<2x32x128xi32, #tpu.memory_space<vmem>> -> memref<1x32x128xi32, #tpu.memory_space<vmem>>
      %dma_wait3A_157 = tpu.memref_squeeze %dma_wait3A_156 : memref<1x32x128xi32, #tpu.memory_space<vmem>> -> memref<32x128xi32, #tpu.memory_space<vmem>>
      %dma_wait3A_158 = arith.constant 0 : i32
      %dma_wait3A_159 = tpu.memref_slice %arg2[%mul3A_146, %dma_wait3A_158] : memref<512x128xi32, #tpu.memory_space<hbm>> -> memref<32x128xi32, #tpu.memory_space<hbm>>
      tpu.wait_dma2 semaphore(%arg9 : memref<!tpu.dma_semaphore, #tpu.memory_space<semaphore_mem>>) src(%dma_wait3A_159 : memref<32x128xi32, #tpu.memory_space<hbm>>) dst(%dma_wait3A_157 : memref<32x128xi32, #tpu.memory_space<vmem>>)
      %parallel_loop3A_160 = arith.constant 0 : i32
      %parallel_loop3A_161 = arith.constant 64 : i32
      %parallel_loop3A_162 = arith.constant 1 : i32
      %parallel_loop3A_163 = arith.constant 1 : i32
      scf.for %parallel_loop3A_164 = %parallel_loop3A_160 to %parallel_loop3A_161 step %parallel_loop3A_162  : i32 {
        %parallel_loop3A_165 = arith.constant 1 : i32
        %parallel_loop3A_166 = arith.shrsi %parallel_loop3A_164, %parallel_loop3A_165 : i32
        %parallel_loop3A_167 = arith.constant 1 : i32
        %parallel_loop3A_168 = arith.andi %parallel_loop3A_164, %parallel_loop3A_167 : i32
        %parallel_loop3A_169 = arith.constant 64 : i32
        %parallel_loop3A_170 = arith.muli %parallel_loop3A_168, %parallel_loop3A_169 : i32
        %parallel_loop3A_171 = vector.broadcast %parallel_loop3A_166 : i32 to vector<16xi32>
        %parallel_loop3A_172 = arith.addi %broadcast_in_dim3A_4, %parallel_loop3A_171 : vector<16xi32>
        %parallel_loop3A_173 = vector.broadcast %parallel_loop3A_170 : i32 to vector<16xi32>
        %parallel_loop3A_174 = arith.addi %parallel_loop3A_173, %mul3A_3 : vector<16xi32>
        %parallel_loop3A_175 = arith.constant 0 : i32
        %parallel_loop3A_176 = vector.broadcast %parallel_loop3A_175 : i32 to vector<16xi32>
        %parallel_loop3A_177 = arith.addi %parallel_loop3A_174, %parallel_loop3A_176 : vector<16xi32>
        %parallel_loop3A_178 = arith.constant 0 : i32
        %parallel_loop3A_179 = arith.constant 0 : i32
        %parallel_loop3A_180 = tpu.memref_slice %arg5[%parallel_loop3A_163, %parallel_loop3A_178, %parallel_loop3A_179] : memref<2x32x128xi32, #tpu.memory_space<vmem>> -> memref<1x32x128xi32, #tpu.memory_space<vmem>>
        %parallel_loop3A_181 = tpu.memref_squeeze %parallel_loop3A_180 : memref<1x32x128xi32, #tpu.memory_space<vmem>> -> memref<32x128xi32, #tpu.memory_space<vmem>>
        %parallel_loop3A_182 = tpu.vector_load_idx %parallel_loop3A_181[%parallel_loop3A_172, %parallel_loop3A_177] : memref<32x128xi32, #tpu.memory_space<vmem>>[vector<16xi32>, vector<16xi32>], vector<16xi32>,
        %parallel_loop3A_183 = tpu.vector_load_idx %arg6[%parallel_loop3A_182] : memref<100000xf32, #tpu.memory_space<vmem>>[vector<16xi32>], vector<16xf32>,
        %parallel_loop3A_184 = vector.broadcast %parallel_loop3A_166 : i32 to vector<16xi32>
        %parallel_loop3A_185 = arith.addi %broadcast_in_dim3A_4, %parallel_loop3A_184 : vector<16xi32>
        %parallel_loop3A_186 = vector.broadcast %parallel_loop3A_170 : i32 to vector<16xi32>
        %parallel_loop3A_187 = arith.addi %parallel_loop3A_186, %mul3A_3 : vector<16xi32>
        %parallel_loop3A_188 = arith.constant 1 : i32
        %parallel_loop3A_189 = vector.broadcast %parallel_loop3A_188 : i32 to vector<16xi32>
        %parallel_loop3A_190 = arith.addi %parallel_loop3A_187, %parallel_loop3A_189 : vector<16xi32>
        %parallel_loop3A_191 = arith.constant 0 : i32
        %parallel_loop3A_192 = arith.constant 0 : i32
        %parallel_loop3A_193 = tpu.memref_slice %arg5[%parallel_loop3A_163, %parallel_loop3A_191, %parallel_loop3A_192] : memref<2x32x128xi32, #tpu.memory_space<vmem>> -> memref<1x32x128xi32, #tpu.memory_space<vmem>>
        %parallel_loop3A_194 = tpu.memref_squeeze %parallel_loop3A_193 : memref<1x32x128xi32, #tpu.memory_space<vmem>> -> memref<32x128xi32, #tpu.memory_space<vmem>>
        %parallel_loop3A_195 = tpu.vector_load_idx %parallel_loop3A_194[%parallel_loop3A_185, %parallel_loop3A_190] : memref<32x128xi32, #tpu.memory_space<vmem>>[vector<16xi32>, vector<16xi32>], vector<16xi32>,
        %parallel_loop3A_196 = tpu.vector_load_idx %arg6[%parallel_loop3A_195] : memref<100000xf32, #tpu.memory_space<vmem>>[vector<16xi32>], vector<16xf32>,
        %parallel_loop3A_197 = arith.addf %parallel_loop3A_183, %parallel_loop3A_196 : vector<16xf32>
        %parallel_loop3A_198 = vector.broadcast %parallel_loop3A_166 : i32 to vector<16xi32>
        %parallel_loop3A_199 = arith.addi %broadcast_in_dim3A_4, %parallel_loop3A_198 : vector<16xi32>
        %parallel_loop3A_200 = vector.broadcast %parallel_loop3A_170 : i32 to vector<16xi32>
        %parallel_loop3A_201 = arith.addi %parallel_loop3A_200, %mul3A_3 : vector<16xi32>
        %parallel_loop3A_202 = arith.constant 2 : i32
        %parallel_loop3A_203 = vector.broadcast %parallel_loop3A_202 : i32 to vector<16xi32>
        %parallel_loop3A_204 = arith.addi %parallel_loop3A_201, %parallel_loop3A_203 : vector<16xi32>
        %parallel_loop3A_205 = arith.constant 0 : i32
        %parallel_loop3A_206 = arith.constant 0 : i32
        %parallel_loop3A_207 = tpu.memref_slice %arg5[%parallel_loop3A_163, %parallel_loop3A_205, %parallel_loop3A_206] : memref<2x32x128xi32, #tpu.memory_space<vmem>> -> memref<1x32x128xi32, #tpu.memory_space<vmem>>
        %parallel_loop3A_208 = tpu.memref_squeeze %parallel_loop3A_207 : memref<1x32x128xi32, #tpu.memory_space<vmem>> -> memref<32x128xi32, #tpu.memory_space<vmem>>
        %parallel_loop3A_209 = tpu.vector_load_idx %parallel_loop3A_208[%parallel_loop3A_199, %parallel_loop3A_204] : memref<32x128xi32, #tpu.memory_space<vmem>>[vector<16xi32>, vector<16xi32>], vector<16xi32>,
        %parallel_loop3A_210 = tpu.vector_load_idx %arg6[%parallel_loop3A_209] : memref<100000xf32, #tpu.memory_space<vmem>>[vector<16xi32>], vector<16xf32>,
        %parallel_loop3A_211 = arith.addf %parallel_loop3A_197, %parallel_loop3A_210 : vector<16xf32>
        %parallel_loop3A_212 = vector.broadcast %parallel_loop3A_166 : i32 to vector<16xi32>
        %parallel_loop3A_213 = arith.addi %broadcast_in_dim3A_4, %parallel_loop3A_212 : vector<16xi32>
        %parallel_loop3A_214 = vector.broadcast %parallel_loop3A_170 : i32 to vector<16xi32>
        %parallel_loop3A_215 = arith.addi %parallel_loop3A_214, %mul3A_3 : vector<16xi32>
        %parallel_loop3A_216 = arith.constant 3 : i32
        %parallel_loop3A_217 = vector.broadcast %parallel_loop3A_216 : i32 to vector<16xi32>
        %parallel_loop3A_218 = arith.addi %parallel_loop3A_215, %parallel_loop3A_217 : vector<16xi32>
        %parallel_loop3A_219 = arith.constant 0 : i32
        %parallel_loop3A_220 = arith.constant 0 : i32
        %parallel_loop3A_221 = tpu.memref_slice %arg5[%parallel_loop3A_163, %parallel_loop3A_219, %parallel_loop3A_220] : memref<2x32x128xi32, #tpu.memory_space<vmem>> -> memref<1x32x128xi32, #tpu.memory_space<vmem>>
        %parallel_loop3A_222 = tpu.memref_squeeze %parallel_loop3A_221 : memref<1x32x128xi32, #tpu.memory_space<vmem>> -> memref<32x128xi32, #tpu.memory_space<vmem>>
        %parallel_loop3A_223 = tpu.vector_load_idx %parallel_loop3A_222[%parallel_loop3A_213, %parallel_loop3A_218] : memref<32x128xi32, #tpu.memory_space<vmem>>[vector<16xi32>, vector<16xi32>], vector<16xi32>,
        %parallel_loop3A_224 = tpu.vector_load_idx %arg6[%parallel_loop3A_223] : memref<100000xf32, #tpu.memory_space<vmem>>[vector<16xi32>], vector<16xf32>,
        %parallel_loop3A_225 = arith.addf %parallel_loop3A_211, %parallel_loop3A_224 : vector<16xf32>
        %parallel_loop3A_226 = arith.mulf %parallel_loop3A_225, %broadcast_in_dim3A_6 : vector<16xf32>
        %parallel_loop3A_227 = arith.constant 1024 : i32
        %parallel_loop3A_228 = arith.muli %add3A_137, %parallel_loop3A_227 : i32
        %parallel_loop3A_229 = arith.constant 16 : i32
        %parallel_loop3A_230 = arith.muli %parallel_loop3A_164, %parallel_loop3A_229 : i32
        %parallel_loop3A_231 = arith.addi %parallel_loop3A_228, %parallel_loop3A_230 : i32
        %parallel_loop3A_232 = arith.index_cast %parallel_loop3A_231 : i32 to index
        %parallel_loop3A_233 = tpu.vector_load %arg7[%parallel_loop3A_232] {strides = array<i32>} : memref<16384xf32, #tpu.memory_space<vmem>>, vector<16xf32>,
        tpu.vector_store %arg7[%parallel_loop3A_232], %parallel_loop3A_226 {strides = array<i32>} : memref<16384xf32, #tpu.memory_space<vmem>>, vector<16xf32>,
      } {sc.loop_unroll_factor = 4 : i64, sc.parallel_access}
    }
    %scan3A_88 = arith.constant 8 : i32
    %dma_start3A_89 = arith.constant 0 : i32
    %dma_start3A_90 = tpu.memref_slice %arg4[%add3A_49, %dma_start3A_89] : memref<64x16384xf32, #tpu.memory_space<hbm>> -> memref<1x16384xf32, #tpu.memory_space<hbm>>
    %dma_start3A_91 = tpu.memref_squeeze %dma_start3A_90 : memref<1x16384xf32, #tpu.memory_space<hbm>> -> memref<16384xf32, #tpu.memory_space<hbm>>
    %dma_start3A_92 = arith.constant 0 : i32
    %dma_start3A_93 = tpu.memref_slice %arg4[%add3A_49, %dma_start3A_92] : memref<64x16384xf32, #tpu.memory_space<hbm>> -> memref<1x16384xf32, #tpu.memory_space<hbm>>
    %dma_start3A_94 = tpu.memref_squeeze %dma_start3A_93 : memref<1x16384xf32, #tpu.memory_space<hbm>> -> memref<16384xf32, #tpu.memory_space<hbm>>
    tpu.enqueue_dma source(%arg7 : memref<16384xf32, #tpu.memory_space<vmem>>) target(%dma_start3A_94 : memref<16384xf32, #tpu.memory_space<hbm>>) target_semaphore(%arg11 : memref<!tpu.dma_semaphore, #tpu.memory_space<semaphore_mem>>)
    %mul3A_95 = arith.constant 2 : i32
    %mul3A_96 = arith.muli %add3A, %mul3A_95 : i32
    %add3A_97 = arith.constant 2 : i32
    %add3A_98 = arith.addi %mul3A_96, %add3A_97 : i32
    %sub3A_99 = arith.constant 1 : i32
    %sub3A_100 = arith.subi %add3A_98, %sub3A_99 : i32
    %dma_wait3A_101 = arith.constant 0 : i32
    %dma_wait3A_102 = tpu.memref_slice %arg4[%sub3A_100, %dma_wait3A_101] : memref<64x16384xf32, #tpu.memory_space<hbm>> -> memref<1x16384xf32, #tpu.memory_space<hbm>>
    %dma_wait3A_103 = tpu.memref_squeeze %dma_wait3A_102 : memref<1x16384xf32, #tpu.memory_space<hbm>> -> memref<16384xf32, #tpu.memory_space<hbm>>
    %dma_wait3A_104 = arith.constant 0 : i32
    %dma_wait3A_105 = tpu.memref_slice %arg4[%sub3A_100, %dma_wait3A_104] : memref<64x16384xf32, #tpu.memory_space<hbm>> -> memref<1x16384xf32, #tpu.memory_space<hbm>>
    %dma_wait3A_106 = tpu.memref_squeeze %dma_wait3A_105 : memref<1x16384xf32, #tpu.memory_space<hbm>> -> memref<16384xf32, #tpu.memory_space<hbm>>
    tpu.wait_dma2 semaphore(%arg11 : memref<!tpu.dma_semaphore, #tpu.memory_space<semaphore_mem>>) src(%arg7 : memref<16384xf32, #tpu.memory_space<vmem>>) dst(%dma_wait3A_106 : memref<16384xf32, #tpu.memory_space<hbm>>)
    return
  }
}

</mosaic_0001>

<sc_bundles>
// kernel: _run.3.cloned.1.call-start
scs
__scs_entry_jumppad:
0x0: {  	(pc) =	sbr.rel $0x88, $3  }
0x1: {  	(tag) =	ssettag $0x0;
	lr =	simm.s32 $0x1  }
0x2: {  	[smem:$0x3F9F] =	sst lr;
	_ =	strace $0xD0000000  }
0x3: {  	_ = 	snop  }
0x4: {  	_ = 	snop  }
0x5: {  	_ = 	snop  }
0x6: {  	_ = 	snop  }
0x7: {  	_ = 	snop  }
__scs_overlays_trampoline_lowered:
0x8: {  	[smem:$0x3FAE] =	sst s0  }
0x9: {  	[smem:$0x3FAF] =	sst s1  }
0xa: {  	[smem:$0x3FB0] =	sst s2  }
0xb: {  	[smem:$0x3FB1] =	sst s3  }
0xc: {  	[smem:$0x3FB2] =	sst s4  }
0xd: {  	[smem:$0x3FB3] =	sst s5  }
0xe: {  	[smem:$0x3FB4] =	sst s6  }
0xf: {  	[smem:$0x3FB5] =	sst s7  }
0x10: {  	[smem:$0x3FB6] =	sst s8  }
0x11: {  	[smem:$0x3FB7] =	sst s9;
	s0 =	simm.s32 @!p0 $0x0  }
0x12: {  	s1 =	sld [smem:$0x3F9D];
	s0 =	simm.s32 @p0 $0x1  }
0x13: {  	[smem:$0x3FB8] =	sst s0;
	s0 =	simm.s32 @!p1 $0x0  }
0x14: {  	s2 =	sld [smem:$0x3F9C];
	s0 =	simm.s32 @p1 $0x1  }
0x15: {  	[smem:$0x3FB9] =	sst s0;
	s0 =	simm.s32 @!p2 $0x0  }
0x16: {  	s3 =	sld [smem:$0x3FDB];
	s0 =	simm.s32 @p2 $0x1  }
0x17: {  	s4 =	simm.s32 $0x1BF5;
	[smem:$0x3FBB] =	sst s0  }
0x18: {  	s0 =	sld [smem:$0x3F9E];
	_ =	swait.ge [sflag:s4], $0x0  }
0x19: {  	s7 =	sld [smem:$0x3F9F]  }
0x1a: {  	s8 =	sadd.s32 $0xFFFFE003, lr  }
0x1b: {  	s9 =	sadd.s32 $0xFFFFFEF7, lr;
	s5 =	simm.s32 $0xFFFFFFFF;
	p2 =	slt.u32 s8, $0xFFFFF086  }
0x1c: {  	p1 =	slt.u32 s9, $0xF7A;
	s5 =	simm.s32 @!p2 $0x0  }
0x1d: {  	s5 =	simm.s32 @p1 $0x1;
	p0 =	seq.s32 s7, s2  }
0x1e: {  	s7 =	smul.u32 @!p0 $0xF7A, s2;
	p2 =	seq.s32 @!p0 s5, $0x0  }
0x1f: {  	s9 =	smul.u32 $0xF7A, s1;
	s8 =	simm.s32 @!p0 $0x1BF5;
	p2 =	por !p2, p0  }
0x20: {  	[sflag:s8] =	ssyncset.s32 @!p0 $0xFFFFF086;
	s6 =	sadd.s32 @!p0 s3, s7;
	s7 =	simm.s32 @!p0 $0x108  }
0x21: {  	s3 =	sadd.s32 s3, s9;
	s6 =	sadd.s32 @!p0 $0x88, s6;
	s7 =	simm.s32 @p2 $0x1082  }
0x22: {  	[simem:s7], [sflag:s8] =	dma.local @!p0 [hbm:s6], $0xF7A  }
0x23: {  	s9 =	sor.u32 $0xD0000000, s2;
	s6 =	simm.s32 $0x108;
	_ =	swait.ge @!p0 [sflag:s8], $0x0  }
0x24: {  	s3 =	sadd.s32 $0x88, s3;
	s6 =	simm.s32 @!p1 $0x1082;
	[sflag:s4] =	ssyncset.s32 $0xFFFFF086  }
0x25: {  	[simem:s6], [sflag:s4] =	dma.local [hbm:s3], $0xF7A  }
0x26: {  	[smem:$0x3F9F] =	sst s1;
	(tag) =	ssettag s2;
	_ =	strace s9  }
0x27: {  	s1 =	sld [smem:$0x3FAF]  }
0x28: {  	s2 =	sld [smem:$0x3FB0]  }
0x29: {  	s4 =	sld [smem:$0x3FB2]  }
0x2a: {  	p0 =	seq.s32 s5, $0x0;
	s5 =	sld [smem:$0x3FB3]  }
0x2b: {  	s6 =	sld [smem:$0x3FB4]  }
0x2c: {  	s7 =	sld [smem:$0x3FB5]  }
0x2d: {  	s3 =	simm.s32 $0x108;
	s8 =	sld [smem:$0x3FB6]  }
0x2e: {  	s3 =	simm.s32 @!p0 $0x1082;
	s9 =	sld [smem:$0x3FB7]  }
0x2f: {  	lr =	sadd.s32 s0, s3;
	s0 =	sld [smem:$0x3FAE]  }
0x30: {  	s3 =	sld [smem:$0x3FB1]  }
0x31: {  	[smem:$0x3FBA] =	sst s10  }
0x32: {  	s10 =	sld [smem:$0x3FB8];
	_ =	sdelay $0x3  }
0x33: {  	p0 =	seq.s32 s10, $0x1;
	s10 =	sld [smem:$0x3FBA];
	_ =	sdelay $0x3  }
0x34: {  	[smem:$0x3FBA] =	sst s10  }
0x35: {  	s10 =	sld [smem:$0x3FB9];
	_ =	sdelay $0x3  }
0x36: {  	p1 =	seq.s32 s10, $0x1;
	s10 =	sld [smem:$0x3FBA];
	_ =	sdelay $0x3  }
0x37: {  	[smem:$0x3FBA] =	sst s10  }
0x38: {  	s10 =	sld [smem:$0x3FBB]  }
0x39: {  	_ = 	snop;
	(pc) =	sbr.ind lr, $3  }
0x3a: {  	_ = 	snop  }
0x3b: {  	_ = 	snop  }
0x3c: {  	p2 =	seq.s32 s10, $0x1;
	s10 =	sld [smem:$0x3FBA]  }
0x3d: {  	_ =	shalt  }
0x3e: {  	_ =	shalt  }
0x3f: {  	_ =	shalt  }
0x40: {  	_ =	shalt  }
0x41: {  	_ =	shalt  }
0x42: {  	_ =	shalt  }
0x43: {  	_ =	shalt  }
0x44: {  	_ =	shalt  }
0x45: {  	_ =	shalt  }
0x46: {  	_ =	shalt  }
0x47: {  	_ =	shalt  }
0x48: {  	_ =	shalt  }
0x49: {  	_ =	shalt  }
0x4a: {  	_ =	shalt  }
0x4b: {  	_ =	shalt  }
0x4c: {  	_ =	shalt  }
0x4d: {  	_ =	shalt  }
0x4e: {  	_ =	shalt  }
0x4f: {  	_ =	shalt  }
0x50: {  	_ =	shalt  }
0x51: {  	_ =	shalt  }
0x52: {  	_ =	shalt  }
0x53: {  	_ =	shalt  }
0x54: {  	_ =	shalt  }
0x55: {  	_ =	shalt  }
0x56: {  	_ =	shalt  }
0x57: {  	_ =	shalt  }
0x58: {  	_ =	shalt  }
0x59: {  	_ =	shalt  }
0x5a: {  	_ =	shalt  }
0x5b: {  	_ =	shalt  }
0x5c: {  	_ =	shalt  }
0x5d: {  	_ =	shalt  }
0x5e: {  	_ =	shalt  }
0x5f: {  	_ =	shalt  }
0x60: {  	_ =	shalt  }
0x61: {  	_ =	shalt  }
0x62: {  	_ =	shalt  }
0x63: {  	_ =	shalt  }
0x64: {  	_ =	shalt  }
0x65: {  	_ =	shalt  }
0x66: {  	_ =	shalt  }
0x67: {  	_ =	shalt  }
0x68: {  	_ =	shalt  }
0x69: {  	_ =	shalt  }
0x6a: {  	_ =	shalt  }
0x6b: {  	_ =	shalt  }
0x6c: {  	_ =	shalt  }
0x6d: {  	_ =	shalt  }
0x6e: {  	_ =	shalt  }
0x6f: {  	_ =	shalt  }
0x70: {  	_ =	shalt  }
0x71: {  	_ =	shalt  }
0x72: {  	_ =	shalt  }
0x73: {  	_ =	shalt  }
0x74: {  	_ =	shalt  }
0x75: {  	_ =	shalt  }
0x76: {  	_ =	shalt  }
0x77: {  	_ =	shalt  }
0x78: {  	_ =	shalt  }
0x79: {  	_ =	shalt  }
0x7a: {  	_ =	shalt  }
0x7b: {  	_ =	shalt  }
0x7c: {  	_ =	shalt  }
0x7d: {  	_ =	shalt  }
0x7e: {  	_ =	shalt  }
0x7f: {  	_ =	shalt  }
0x80: {  	_ =	shalt  }
0x81: {  	_ =	shalt  }
0x82: {  	_ =	shalt  }
0x83: {  	_ =	shalt  }
0x84: {  	_ =	shalt  }
0x85: {  	_ =	shalt  }
0x86: {  	_ =	shalt  }
0x87: {  	_ =	shalt  }
.Lfunc_end0:
.L_simem_size_0:
called_computation_lowered:
.L_overlay_start_0:
0x88: {  	s2 =	sld [smem:$0x3FD9]  }
0x89: {  	s3 =	sld [smem:$0x3FFE];
	_ =	sdelay $0x1  }
0x8a: {  	s1 =	srdreg.scid  }
0x8b: {  	s0 =	sand.u32 $0x1, s1  }
0x8c: {  	s18 =	sshll.u32 s0, $0xA;
	s2 =	sadd.s32 s3, s2  }
0x8d: {  	s2 =	sadd.s32 s2, s18  }
0x8e: {  	[smem:$0x3FC6] =	sst s2  }
0x8f: {  	_ = 	snop  }
0x90: {  	s2 =	sld [smem:$0x3FC9]  }
0x91: {  	s19 =	sld [smem:$0x3FC8]  }
0x92: {  	s4 =	sld [smem:$0x3FD0];
	(tm) =	ssettm $0x1  }
0x93: {  	s5 =	sld [smem:$0x3FFB];
	_ =	sdelay $0x3  }
0x94: {  	_ =	strace s5  }
0x95: {  	s5 =	sld [smem:$0x3FFC];
	_ =	sdelay $0x3  }
0x96: {  	_ =	strace s5  }
0x97: {  	s5 =	sld [smem:$0x3FFD];
	_ =	sdelay $0x3  }
0x98: {  	_ =	strace s5  }
0x99: {  	_ =	strace $0x8FFFFFFF  }
0x9a: {  	s20 =	sld [smem:$0x3FDB];
	_ =	sdelay $0x1  }
0x9b: {  	s6 =	simm.s32 $_scs_section_size  }
0x9c: {  	s7 =	simm.s32 $_size__tile_overlayer_lowered;
	s8 =	simm.s32 $_tile_overlayer_lowered  }
0x9d: {  	s23 =	simm.s32 $0x1BFF;
	s22 =	sshll.u32 s8, $0x1;
	s5 =	sadd.s32 s6, s20  }
0x9e: {  	s9 =	simm.s32 $0x0;
	s21 =	sshll.u32 s7, $0x1;
	s7 =	sadd.s32 s22, s5  }
0x9f: {  	[timem:s9], [sflag:s23] =	dma.local [hbm:s7], s21  }
0xa0: {  	_ =	swait.ge [sflag:s23], s21  }
0xa1: {  	s6 =	ssub.s32 $0x0, s21;
	[sflag:s23] =	ssyncset.done $0x0  }
0xa2: {  	[sflag:s23] =	ssyncadd.s32 s6;
	_ =	sdelay $0x1  }
0xa3: {  	s24 =	simm.s32 $0x1B8B  }
0xa4: {  	_ =	swait.ge [sflag:s24], $0x1  }
0xa5: {  	[sflag:s24] =	ssyncset.done $0x0  }
0xa6: {  	s25 =	simm.s32 $0x1B8E;
	[sflag:s24] =	ssyncadd.s32 $0xFFFFFFFF  }
0xa7: {  	s26 =	simm.s32 $execute0_lowered;
	[smem:$0x3FD2] =	sst s25  }
0xa8: {  	s6 =	sshll.u32 s26, $0x1;
	_ =	strace $0x80000046;
	[dreg:$0x1] =	wrdreg $0xFFFFFFFF  }
0xa9: {  	s28 =	simm.s32 $_size_execute0_lowered;
	s5 =	sadd.s32 s5, s6;
	[dreg:$0x0] =	wrdreg $0x0  }
0xaa: {  	s6 =	sshll.u32 s28, $0x1;
	[dreg:$0x2] =	wrdreg s5  }
0xab: {  	[dreg:$0x3] =	wrdreg s6  }
0xac: {  	[dreg:$0x4] =	wrdreg $0xC0  }
0xad: {  	_ =	task [dreg:s9], $0x5FFFF  }
0xae: {  	[dreg:$0x1] =	wrdreg $0xFFFFFFFF  }
0xaf: {  	[dreg:$0x0] =	wrdreg $0x60  }
0xb0: {  	[dreg:$0x2] =	wrdreg s2  }
0xb1: {  	[dreg:$0x3] =	wrdreg s19  }
0xb2: {  	[dreg:$0x4] =	wrdreg s4  }
0xb3: {  	[dreg:$0x5] =	wrdreg $0x9  }
0xb4: {  	_ =	task.clear_ibuf [dreg:s9], $0x6FFFF;
	_ =	strace $0x90000046  }
0xb5: {  	s29 =	simm.s32 $0x9;
	_ =	strace $0x80000048  }
0xb6: {  	_ =	swait.ge [sflag:s29], $0x1  }
0xb7: {  	[sflag:s29] =	ssyncadd.s32 $0xFFFFFFFF  }
0xb8: {  	_ =	strace $0x90000048  }
0xb9: {  	_ =	sfence  }
0xba: {  	s30 =	sld [smem:$0x0];
	_ =	sdelay $0x2  }
0xbb: {  	s31 =	sshll.u32 s1, $0xD;
	s1 =	sshrl.u32 s1, $0x2  }
0xbc: {  	s3 =	sand.u32 $0x4000, s31;
	s1 =	sadd.s32 s1, s30  }
0xbd: {  	s0 =	sor.u32 s3, s0;
	s1 =	sshll.u32 s1, $0x11  }
0xbe: {  	s0 =	sor.u32 s1, s0  }
0xbf: {  	s0 =	sadd.s32 $0x8F2B, s0  }
0xc0: {  	[sflag:s0] =	ssyncadd.remote.s32 $0x1  }
0xc1: {  	_ =	sfence.sel $0xFFFF  }
0xc2: {  	[dreg:$0x0] =	wrdreg $0xFFFFFFFF;
	(pc) =	sbr.abs _section_cstart, $3  }
0xc3: {  	[dreg:$0x1] =	wrdreg $0xFFFFFFFF  }
0xc4: {  	_ =	task.clear_ibuf [dreg:s9], $0x2FFFF;
	_ =	strace $0x9FFFFFFF  }
0xc5: {  	(tm) =	ssettm $0x7FFFFFFF  }
tec
execute0_lowered:
.L_overlay_start_1:
0x0: {  	(tag) =	ssettag $0x1  }
0x1: {  	s1 =	rddreg [dreg:$0x0]  }
0x2: {  	s7 =	rddreg [dreg:$0x1]  }
0x3: {  	s8 =	rddreg [dreg:$0x2]  }
0x4: {  	s2 =	srdreg.scid;
	s0 =	stileid.u32  }
0x5: {  	s3 =	simm.s32 $0x0;
	s13 =	simm.s32 $0x3;
	s14 =	simm.s32 $0x1000  }
0x6: {  	s15 =	simm.s32 $0x2;
	s16 =	simm.s32 $0x1A700;
	s17 =	simm.s32 $0x4  }
0x7: {  	s18 =	simm.s32 $0x0;
	s4 =	sand.u32 $0x1, s2;
	s2 =	rddreg [dreg:$0x3]  }
0x8: {  	s30 =	sshll.u32 s0, $0x9;
	s5 =	sshrl.u32 s0, $0x1;
	[smem:$0x7FF] =	sst s3  }
0x9: {  	s6 =	sshll.u32 s4, $0x8;
	s9 =	sand.u32 $0x200, s30;
	s10 =	smul.u32 $0xC3800, s5  }
0xa: {  	s4 =	ssub.s32 $0x2, s4;
	_ =	strace $0x80000047;
	s31 =	sshll.u32 s5, $0x11  }
0xb: {  	s5 =	sadd.s32 $0x400, s1;
	s6 =	sor.u32 s6, s9;
	s11 =	sshrl.u32 s4, $0x1  }
0xc: {  	v0 =	vlaneseq.u32;
	s9 =	sor.u32 s10, s6;
	s11 =	ssub.s32 s4, s11;
	s12 =	sor.u32 s31, s6  }
0xd: {  	v0 =	vmul.u32 $0x4, v0;
	s6 =	sor.u32 $0x80, s6;
	s9 =	sshrl.u32 s9, $0x3;
	s12 =	sshrl.u32 s12, $0x3  }
0xe: {  	s10 =	sor.u32 s10, s6;
	s4 =	sadd.s32 s7, s9;
	s9 =	sor.u32 s31, s6  }
0xf: {  	v1 =	vor.u32 $0x1, v0;
	s6 =	sadd.s32 s8, s12;
	s10 =	sshrl.u32 s10, $0x3;
	s12 =	simm.s32 $0x2000  }
0x10: {  	v2 =	vor.u32 $0x2, v0;
	v3 =	vor.u32 $0x3, v0;
	v4 =	vor.u32 $0x40, v0;
	s9 =	sshrl.u32 s9, $0x3;
	s7 =	sadd.s32 s7, s10;
	s10 =	simm.s32 $0x80  }
0x11: {  	v5 =	vor.u32 $0x41, v0;
	v6 =	vor.u32 $0x42, v0;
	v7 =	vor.u32 $0x43, v0;
	s8 =	sadd.s32 s8, s9;
	s9 =	smax.u32 s11, $0x1;
	s11 =	simm.s32 $0x400  }
.LBB2_1:
0x12: {  	[tilespmem:s12], [sflag:$0x3] =	stream.strided.gather [hbm4b:s4+s10], $0x18700, s11, s10, $0x38;
	[tilespmem:$0x1E700] =	vst v63  }
0x13: {  	_ = 	snop  }
0x14: {  	[tilespmem:s3], [sflag:$0x1] =	stream.linear.gather [hbm4b:s1+s3], $0x1000, $0x38;
	[tilespmem:$0x1E700] =	vst v63  }
0x15: {  	_ =	swait.ge [sflag:s13], $0x18700  }
0x16: {  	[sflag:s13] =	ssyncset.done $0x0  }
0x17: {  	s19 =	simm.s32 $0x0;
	[sflag:s13] =	ssyncadd.s32 $0xFFFE7900  }
.LBB2_2:
0x18: {  	s20 =	sshllo.u32 s19, $0x1  }
0x19: {  	s29 =	simm.s32 $0x80;
	s21 =	sshll.u32 s20, $0x9  }
0x1a: {  	s22 =	simm.s32 $0x0;
	s23 =	simm.s32 $0x1;
	v8 =	vor.u32 s29, v0;
	s21 =	sadd.s32 s1, s21  }
0x1b: {  	v9 =	vor.u32 s22, v4;
	[tilespmem:s14], [sflag:$0x2] =	stream.linear.gather [hbm4b:s21+s3], $0x1000, $0x38;
	[tilespmem:$0x1E700] =	vst v63  }
0x1c: {  	v10 =	vor.u32 s22, v5;
	_ =	swait.ge [sflag:s23], $0x1000  }
0x1d: {  	v11 =	vor.u32 s22, v0;
	[sflag:s23] =	ssyncset.done $0x0  }
0x1e: {  	v12 =	vor.u32 s22, v6;
	[sflag:s23] =	ssyncadd.s32 $0xFFFFF000  }
0x1f: {  	v13 =	vor.u32 s22, v1;
	v16 =	vld.idx.msk [tilespmem:v8+s3+$0x0], $0xffff  }
0x20: {  	v14 =	vor.u32 s29, v1;
	v8 =	vld.idx.msk [tilespmem:v9+s3+$0x0], $0xffff  }
0x21: {  	v15 =	vor.u32 s29, v4;
	v10 =	vld.idx.msk [tilespmem:v10+s3+$0x0], $0xffff  }
0x22: {  	v9 =	vor.u32 s22, v7;
	v17 =	vld.idx.msk [tilespmem:v11+s3+$0x0], $0xffff  }
0x23: {  	v11 =	vld.idx.msk [tilespmem:v12+s3+$0x0], $0xffff;
	v12 =	vor.u32 s29, v5  }
0x24: {  	v18 =	vld.idx.msk [tilespmem:v13+s3+$0x0], $0xffff;
	v13 =	vor.u32 s22, v2  }
0x25: {  	v19 =	vld.idx.msk [tilespmem:v14+s3+$0x0], $0xffff  }
0x26: {  	v20 =	vld.idx.msk [tilespmem:v15+s3+$0x0], $0xffff  }
0x27: {  	v15 =	vor.u32 s29, v2;
	v9 =	vld.idx.msk [tilespmem:v9+s3+$0x0], $0xffff  }
0x28: {  	v22 =	vld.idx.msk [tilespmem:v12+s3+$0x0], $0xffff  }
0x29: {  	v21 =	vor.u32 s29, v6;
	v14 =	vld.idx.msk [tilespmem:v13+s3+$0x0], $0xffff  }
0x2a: {  	v8 =	vld.idx.msk [tilespmem:v8+s12+$0x0], $0xffff  }
0x2b: {  	v10 =	vld.idx.msk [tilespmem:v10+s12+$0x0], $0xffff  }
0x2c: {  	v12 =	vor.u32 s22, v3;
	v13 =	vld.idx.msk [tilespmem:v15+s3+$0x0], $0xffff  }
0x2d: {  	v24 =	vor.u32 s29, v3;
	v23 =	vld.idx.msk [tilespmem:v11+s12+$0x0], $0xffff  }
0x2e: {  	v11 =	vld.idx.msk [tilespmem:v21+s3+$0x0], $0xffff  }
0x2f: {  	v25 =	vor.u32 s29, v7;
	v26 =	vld.idx.msk [tilespmem:v9+s12+$0x0], $0xffff  }
0x30: {  	v16 =	vld.idx.msk [tilespmem:v16+s12+$0x0], $0xffff;
	v8 =	vadd.f32 v10, v8  }
0x31: {  	v10 =	vld.idx.msk [tilespmem:v12+s3+$0x0], $0xffff  }
0x32: {  	s30 =	sshll.u32 s19, $0xB;
	s24 =	simm.s32 $0x0;
	v9 =	vld.idx.msk [tilespmem:v24+s3+$0x0], $0xffff;
	v15 =	vadd.f32 v23, v8  }
0x33: {  	s25 =	simm.s32 $0x20;
	s28 =	sand.u32 $0x380, s24;
	s21 =	sand.u32 $0x3FFFF800, s30;
	v12 =	vld.idx.msk [tilespmem:v17+s12+$0x0], $0xffff  }
0x34: {  	s24 =	sand.u32 $0x40, s24;
	s30 =	sand.u32 $0x60, s25;
	s21 =	sadd.s32 $0x1A700, s21;
	v8 =	vld.idx.msk [tilespmem:v25+s3+$0x0], $0xffff;
	v17 =	vadd.f32 v26, v15  }
0x35: {  	s31 =	sadd.s32 s28, s21;
	s23 =	simm.s32 $0x0;
	s22 =	simm.s32 $0x30;
	v15 =	vld.idx.msk [tilespmem:v18+s12+$0x0], $0xffff  }
0x36: {  	s29 =	sand.u32 $0x380, s25;
	s25 =	sadd.s32 s24, s31;
	s26 =	sand.u32 $0x380, s22;
	v18 =	vld.idx.msk [tilespmem:v20+s12+$0x0], $0xffff;
	v63 =	vmul.f32 $2.500000000e-01, v17  }
0x37: {  	s28 =	sadd.s32 s29, s21;
	s31 =	sand.u32 $0x70, s22;
	s26 =	sadd.s32 s26, s21;
	v17 =	vld.idx.msk [tilespmem:v19+s12+$0x0], $0xffff  }
0x38: {  	s24 =	simm.s32 $0x3;
	s28 =	sadd.s32 s30, s28;
	s26 =	sadd.s32 s31, s26;
	v19 =	vld.idx.msk [tilespmem:v22+s12+$0x0], $0xffff;
	[tilespmem:s25+$0x10] =	vst v63  }
.LBB2_3:
0x39: {  	s29 =	sshll.u32 s24, $0x7;
	v14 =	vld.idx.msk [tilespmem:v14+s12+$0x0], $0xffff  }
0x3a: {  	s23 =	sadd.s32 $0x4, s23;
	s30 =	sadd.s32 $0xFFFFFF80, s29;
	v20 =	vor.u32 s29, v0;
	v21 =	vor.u32 s29, v1;
	v22 =	vor.u32 s29, v4;
	v13 =	vld.idx.msk [tilespmem:v13+s12+$0x0], $0xffff  }
0x3b: {  	p0 =	slt.u32 s23, $0x3C;
	v23 =	vor.u32 s30, v0;
	v24 =	vor.u32 s30, v1;
	v25 =	vor.u32 s30, v4;
	v11 =	vld.idx.msk [tilespmem:v11+s12+$0x0], $0xffff  }
0x3c: {  	v28 =	vor.u32 s29, v5;
	v26 =	vor.u32 s30, v2;
	v27 =	vor.u32 s30, v5;
	v10 =	vld.idx.msk [tilespmem:v10+s12+$0x0], $0xffff  }
0x3d: {  	v30 =	vor.u32 s29, v2;
	v31 =	vor.u32 s29, v6;
	v29 =	vor.u32 s30, v3;
	v9 =	vld.idx.msk [tilespmem:v9+s12+$0x0], $0xffff  }
0x3e: {  	v33 =	vor.u32 s29, v3;
	v34 =	vor.u32 s29, v7;
	v32 =	vor.u32 s30, v6;
	v8 =	vld.idx.msk [tilespmem:v8+s12+$0x0], $0xffff  }
0x3f: {  	v12 =	vadd.f32 v15, v12;
	v15 =	vadd.f32 v17, v16;
	v20 =	vld.idx.msk [tilespmem:v20+s3+$0x0], $0xffff  }
0x40: {  	v17 =	vor.u32 s30, v7;
	v18 =	vadd.f32 v19, v18;
	v16 =	vld.idx.msk [tilespmem:v25+s3+$0x0], $0xffff  }
0x41: {  	v12 =	vadd.f32 v14, v12;
	v13 =	vadd.f32 v13, v15;
	v19 =	vld.idx.msk [tilespmem:v27+s3+$0x0], $0xffff  }
0x42: {  	v11 =	vadd.f32 v11, v18;
	v15 =	vld.idx.msk [tilespmem:v23+s3+$0x0], $0xffff  }
0x43: {  	v10 =	vadd.f32 v10, v12;
	v9 =	vadd.f32 v9, v13;
	v14 =	vld.idx.msk [tilespmem:v32+s3+$0x0], $0xffff  }
0x44: {  	v8 =	vadd.f32 v8, v11;
	v18 =	vld.idx.msk [tilespmem:v24+s3+$0x0], $0xffff  }
0x45: {  	v10 =	vmul.f32 $2.500000000e-01, v10;
	v9 =	vmul.f32 $2.500000000e-01, v9;
	v11 =	vld.idx.msk [tilespmem:v17+s3+$0x0], $0xffff  }
0x46: {  	v8 =	vmul.f32 $2.500000000e-01, v8;
	v17 =	vld.idx.msk [tilespmem:v21+s3+$0x0], $0xffff  }
0x47: {  	v21 =	vld.idx.msk [tilespmem:v22+s3+$0x0], $0xffff;
	[tilespmem:s25+$0x0] =	vst v10  }
0x48: {  	v10 =	vld.idx.msk [tilespmem:v16+s12+$0x0], $0xffff;
	[tilespmem:s28+$0x0] =	vst v9  }
0x49: {  	v9 =	vld.idx.msk [tilespmem:v19+s12+$0x0], $0xffff;
	[tilespmem:s26+$0x0] =	vst v8  }
0x4a: {  	v19 =	vld.idx.msk [tilespmem:v28+s3+$0x0], $0xffff  }
0x4b: {  	v8 =	vld.idx.msk [tilespmem:v14+s12+$0x0], $0xffff  }
0x4c: {  	v14 =	vld.idx.msk [tilespmem:v26+s3+$0x0], $0xffff  }
0x4d: {  	v16 =	vld.idx.msk [tilespmem:v11+s12+$0x0], $0xffff  }
0x4e: {  	v13 =	vld.idx.msk [tilespmem:v30+s3+$0x0], $0xffff  }
0x4f: {  	v9 =	vadd.f32 v9, v10;
	v11 =	vld.idx.msk [tilespmem:v31+s3+$0x0], $0xffff  }
0x50: {  	v10 =	vld.idx.msk [tilespmem:v29+s3+$0x0], $0xffff  }
0x51: {  	s22 =	sadd.s32 $0x40, s22;
	v22 =	vadd.f32 v8, v9;
	v9 =	vld.idx.msk [tilespmem:v33+s3+$0x0], $0xffff  }
0x52: {  	s25 =	sadd.s32 $0xFFFFFFD0, s22;
	v8 =	vld.idx.msk [tilespmem:v34+s3+$0x0], $0xffff  }
0x53: {  	s28 =	sand.u32 $0x380, s22;
	s29 =	sand.u32 $0x380, s25;
	s26 =	sadd.s32 $0xFFFFFFF0, s22;
	v16 =	vadd.f32 v16, v22;
	v12 =	vld.idx.msk [tilespmem:v15+s12+$0x0], $0xffff  }
.Ltmp0:
0x54: {  	s30 =	sand.u32 $0x380, s26;
	s26 =	sand.u32 $0x60, s26;
	v15 =	vld.idx.msk [tilespmem:v18+s12+$0x0], $0xffff;
	(pc) =	sbr.rel @p0 .LBB2_3-.Ltmp0, $4  }
0x55: {  	s25 =	sand.u32 $0x40, s25;
	s29 =	sadd.s32 s29, s21;
	s30 =	sadd.s32 s30, s21;
	v18 =	vmul.f32 $2.500000000e-01, v16;
	v16 =	vld.idx.msk [tilespmem:v20+s12+$0x0], $0xffff  }
0x56: {  	s31 =	sadd.s32 s28, s21;
	s25 =	sadd.s32 s25, s29;
	s29 =	sand.u32 $0x70, s22;
	v17 =	vld.idx.msk [tilespmem:v17+s12+$0x0], $0xffff  }
0x57: {  	s28 =	sadd.s32 s26, s30;
	s26 =	sadd.s32 s29, s31;
	[tilespmem:s25+$0x10] =	vst v18;
	v18 =	vld.idx.msk [tilespmem:v21+s12+$0x0], $0xffff  }
0x58: {  	s24 =	sadd.s32 $0x2, s24;
	v19 =	vld.idx.msk [tilespmem:v19+s12+$0x0], $0xffff  }
0x59: {  	_ =	sdelay $0x3  }
0x5a: {  	v14 =	vld.idx.msk [tilespmem:v14+s12+$0x0], $0xffff  }
0x5b: {  	v13 =	vld.idx.msk [tilespmem:v13+s12+$0x0], $0xffff  }
0x5c: {  	v11 =	vld.idx.msk [tilespmem:v11+s12+$0x0], $0xffff  }
0x5d: {  	v10 =	vld.idx.msk [tilespmem:v10+s12+$0x0], $0xffff  }
0x5e: {  	v9 =	vld.idx.msk [tilespmem:v9+s12+$0x0], $0xffff;
	v12 =	vadd.f32 v15, v12  }
0x5f: {  	v8 =	vld.idx.msk [tilespmem:v8+s12+$0x0], $0xffff;
	v15 =	vadd.f32 v17, v16  }
0x60: {  	v16 =	vadd.f32 v19, v18;
	v12 =	vadd.f32 v14, v12  }
0x61: {  	v13 =	vadd.f32 v13, v15  }
0x62: {  	v11 =	vadd.f32 v11, v16;
	v10 =	vadd.f32 v10, v12  }
0x63: {  	v9 =	vadd.f32 v9, v13  }
0x64: {  	v8 =	vadd.f32 v8, v11;
	v10 =	vmul.f32 $2.500000000e-01, v10  }
0x65: {  	v9 =	vmul.f32 $2.500000000e-01, v9  }
0x66: {  	p0 =	seq.s32 s19, $0x7;
	v8 =	vmul.f32 $2.500000000e-01, v8;
	[tilespmem:s25+$0x0] =	vst v10  }
0x67: {  	s22 =	simm.s32 $0x80;
	s21 =	sshll.u32 @!p0 s19, $0xA;
	[tilespmem:s28+$0x0] =	vst v9  }
0x68: {  	s24 =	simm.s32 $0x0;
	s23 =	simm.s32 @!p0 $0x0;
	s21 =	sadd.s32 @!p0 s21, s5;
	[tilespmem:s26+$0x0] =	vst v8;
	v8 =	vor.u32 s22, v0  }
0x69: {  	v9 =	vor.u32 s24, v4;
	[tilespmem:s23], [sflag:$0x1] =	stream.linear.gather @!p0 [hbm4b:s21+s23], $0x1000, $0x38;
	[tilespmem:$0x1E700] =	vst v63  }
0x6a: {  	v10 =	vor.u32 s24, v5;
	_ =	swait.ge [sflag:s15], $0x1000  }
0x6b: {  	v11 =	vor.u32 s24, v0;
	[sflag:s15] =	ssyncset.done $0x0  }
0x6c: {  	v12 =	vor.u32 s24, v6;
	[sflag:s15] =	ssyncadd.s32 $0xFFFFF000  }
0x6d: {  	v13 =	vor.u32 s24, v1;
	v16 =	vld.idx.msk [tilespmem:v8+s14+$0x0], $0xffff  }
0x6e: {  	v14 =	vor.u32 s22, v1;
	v8 =	vld.idx.msk [tilespmem:v9+s14+$0x0], $0xffff  }
0x6f: {  	v15 =	vor.u32 s22, v4;
	v10 =	vld.idx.msk [tilespmem:v10+s14+$0x0], $0xffff  }
0x70: {  	v9 =	vor.u32 s24, v7;
	v17 =	vld.idx.msk [tilespmem:v11+s14+$0x0], $0xffff  }
0x71: {  	v11 =	vld.idx.msk [tilespmem:v12+s14+$0x0], $0xffff;
	v12 =	vor.u32 s22, v5  }
0x72: {  	v18 =	vld.idx.msk [tilespmem:v13+s14+$0x0], $0xffff;
	v13 =	vor.u32 s24, v2  }
0x73: {  	v19 =	vld.idx.msk [tilespmem:v14+s14+$0x0], $0xffff  }
0x74: {  	v20 =	vld.idx.msk [tilespmem:v15+s14+$0x0], $0xffff  }
0x75: {  	v15 =	vor.u32 s22, v2;
	v9 =	vld.idx.msk [tilespmem:v9+s14+$0x0], $0xffff  }
0x76: {  	v22 =	vld.idx.msk [tilespmem:v12+s14+$0x0], $0xffff  }
0x77: {  	v21 =	vor.u32 s22, v6;
	v14 =	vld.idx.msk [tilespmem:v13+s14+$0x0], $0xffff  }
0x78: {  	v8 =	vld.idx.msk [tilespmem:v8+s12+$0x0], $0xffff  }
0x79: {  	v10 =	vld.idx.msk [tilespmem:v10+s12+$0x0], $0xffff  }
0x7a: {  	v12 =	vor.u32 s24, v3;
	v13 =	vld.idx.msk [tilespmem:v15+s14+$0x0], $0xffff  }
0x7b: {  	v24 =	vor.u32 s22, v3;
	v23 =	vld.idx.msk [tilespmem:v11+s12+$0x0], $0xffff  }
0x7c: {  	v11 =	vld.idx.msk [tilespmem:v21+s14+$0x0], $0xffff  }
0x7d: {  	v25 =	vor.u32 s22, v7;
	v26 =	vld.idx.msk [tilespmem:v9+s12+$0x0], $0xffff  }
0x7e: {  	v16 =	vld.idx.msk [tilespmem:v16+s12+$0x0], $0xffff;
	v8 =	vadd.f32 v10, v8  }
0x7f: {  	v10 =	vld.idx.msk [tilespmem:v12+s14+$0x0], $0xffff  }
0x80: {  	s20 =	sshll.u32 s20, $0xA;
	s29 =	simm.s32 $0x20;
	v9 =	vld.idx.msk [tilespmem:v24+s14+$0x0], $0xffff;
	v15 =	vadd.f32 v23, v8  }
0x81: {  	s20 =	sand.u32 $0x3FFFFC00, s20;
	s31 =	sand.u32 $0x380, s29;
	s26 =	simm.s32 $0x0;
	v12 =	vld.idx.msk [tilespmem:v17+s12+$0x0], $0xffff  }
0x82: {  	s20 =	sadd.s32 $0x1A700, s20;
	s21 =	simm.s32 $0x30;
	s30 =	sand.u32 $0x380, s26;
	v8 =	vld.idx.msk [tilespmem:v25+s14+$0x0], $0xffff;
	v17 =	vadd.f32 v26, v15  }
0x83: {  	s23 =	sand.u32 $0x40, s26;
	s25 =	sand.u32 $0x380, s21;
	s26 =	sadd.s32 s30, s20;
	v15 =	vld.idx.msk [tilespmem:v18+s12+$0x0], $0xffff  }
0x84: {  	s30 =	sadd.s32 s31, s20;
	s31 =	sand.u32 $0x70, s21;
	s25 =	sadd.s32 s25, s20;
	v18 =	vld.idx.msk [tilespmem:v20+s12+$0x0], $0xffff;
	v63 =	vmul.f32 $2.500000000e-01, v17  }
0x85: {  	s29 =	sand.u32 $0x60, s29;
	s25 =	sadd.s32 s31, s25;
	s24 =	sadd.s32 s23, s26;
	v17 =	vld.idx.msk [tilespmem:v19+s12+$0x0], $0xffff  }
0x86: {  	s22 =	simm.s32 $0x0;
	s26 =	sadd.s32 s29, s30;
	s23 =	simm.s32 $0x3;
	v19 =	vld.idx.msk [tilespmem:v22+s12+$0x0], $0xffff;
	[tilespmem:s24+$0x10] =	vst v63  }
.LBB2_5:
0x87: {  	s28 =	sshll.u32 s23, $0x7;
	v14 =	vld.idx.msk [tilespmem:v14+s12+$0x0], $0xffff  }
0x88: {  	s22 =	sadd.s32 $0x4, s22;
	s29 =	sadd.s32 $0xFFFFFF80, s28;
	v20 =	vor.u32 s28, v0;
	v21 =	vor.u32 s28, v1;
	v22 =	vor.u32 s28, v4;
	v13 =	vld.idx.msk [tilespmem:v13+s12+$0x0], $0xffff  }
0x89: {  	p0 =	slt.u32 s22, $0x3C;
	v23 =	vor.u32 s29, v0;
	v24 =	vor.u32 s29, v1;
	v25 =	vor.u32 s29, v4;
	v11 =	vld.idx.msk [tilespmem:v11+s12+$0x0], $0xffff  }
0x8a: {  	v28 =	vor.u32 s28, v5;
	v26 =	vor.u32 s29, v2;
	v27 =	vor.u32 s29, v5;
	v10 =	vld.idx.msk [tilespmem:v10+s12+$0x0], $0xffff  }
0x8b: {  	v30 =	vor.u32 s28, v2;
	v31 =	vor.u32 s28, v6;
	v29 =	vor.u32 s29, v3;
	v9 =	vld.idx.msk [tilespmem:v9+s12+$0x0], $0xffff  }
0x8c: {  	v33 =	vor.u32 s28, v3;
	v34 =	vor.u32 s28, v7;
	v32 =	vor.u32 s29, v6;
	v8 =	vld.idx.msk [tilespmem:v8+s12+$0x0], $0xffff  }
0x8d: {  	v12 =	vadd.f32 v15, v12;
	v15 =	vadd.f32 v17, v16;
	v20 =	vld.idx.msk [tilespmem:v20+s14+$0x0], $0xffff  }
0x8e: {  	v17 =	vor.u32 s29, v7;
	v18 =	vadd.f32 v19, v18;
	v16 =	vld.idx.msk [tilespmem:v25+s14+$0x0], $0xffff  }
0x8f: {  	v12 =	vadd.f32 v14, v12;
	v13 =	vadd.f32 v13, v15;
	v19 =	vld.idx.msk [tilespmem:v27+s14+$0x0], $0xffff  }
0x90: {  	v11 =	vadd.f32 v11, v18;
	v15 =	vld.idx.msk [tilespmem:v23+s14+$0x0], $0xffff  }
0x91: {  	v10 =	vadd.f32 v10, v12;
	v9 =	vadd.f32 v9, v13;
	v14 =	vld.idx.msk [tilespmem:v32+s14+$0x0], $0xffff  }
0x92: {  	v8 =	vadd.f32 v8, v11;
	v18 =	vld.idx.msk [tilespmem:v24+s14+$0x0], $0xffff  }
0x93: {  	v10 =	vmul.f32 $2.500000000e-01, v10;
	v9 =	vmul.f32 $2.500000000e-01, v9;
	v11 =	vld.idx.msk [tilespmem:v17+s14+$0x0], $0xffff  }
0x94: {  	v8 =	vmul.f32 $2.500000000e-01, v8;
	v17 =	vld.idx.msk [tilespmem:v21+s14+$0x0], $0xffff  }
0x95: {  	v21 =	vld.idx.msk [tilespmem:v22+s14+$0x0], $0xffff;
	[tilespmem:s24+$0x0] =	vst v10  }
0x96: {  	v10 =	vld.idx.msk [tilespmem:v16+s12+$0x0], $0xffff;
	[tilespmem:s26+$0x0] =	vst v9  }
0x97: {  	v9 =	vld.idx.msk [tilespmem:v19+s12+$0x0], $0xffff;
	[tilespmem:s25+$0x0] =	vst v8  }
0x98: {  	v19 =	vld.idx.msk [tilespmem:v28+s14+$0x0], $0xffff  }
0x99: {  	v8 =	vld.idx.msk [tilespmem:v14+s12+$0x0], $0xffff  }
0x9a: {  	v14 =	vld.idx.msk [tilespmem:v26+s14+$0x0], $0xffff  }
0x9b: {  	v16 =	vld.idx.msk [tilespmem:v11+s12+$0x0], $0xffff  }
0x9c: {  	v13 =	vld.idx.msk [tilespmem:v30+s14+$0x0], $0xffff  }
0x9d: {  	v9 =	vadd.f32 v9, v10;
	v11 =	vld.idx.msk [tilespmem:v31+s14+$0x0], $0xffff  }
0x9e: {  	v10 =	vld.idx.msk [tilespmem:v29+s14+$0x0], $0xffff  }
0x9f: {  	s21 =	sadd.s32 $0x40, s21;
	v22 =	vadd.f32 v8, v9;
	v9 =	vld.idx.msk [tilespmem:v33+s14+$0x0], $0xffff  }
0xa0: {  	s24 =	sadd.s32 $0xFFFFFFD0, s21;
	v8 =	vld.idx.msk [tilespmem:v34+s14+$0x0], $0xffff  }
0xa1: {  	s26 =	sand.u32 $0x380, s21;
	s28 =	sand.u32 $0x380, s24;
	s25 =	sadd.s32 $0xFFFFFFF0, s21;
	v16 =	vadd.f32 v16, v22;
	v12 =	vld.idx.msk [tilespmem:v15+s12+$0x0], $0xffff  }
.Ltmp1:
0xa2: {  	s29 =	sand.u32 $0x380, s25;
	s25 =	sand.u32 $0x60, s25;
	v15 =	vld.idx.msk [tilespmem:v18+s12+$0x0], $0xffff;
	(pc) =	sbr.rel @p0 .LBB2_5-.Ltmp1, $4  }
0xa3: {  	s24 =	sand.u32 $0x40, s24;
	s28 =	sadd.s32 s28, s20;
	s29 =	sadd.s32 s29, s20;
	v18 =	vmul.f32 $2.500000000e-01, v16;
	v16 =	vld.idx.msk [tilespmem:v20+s12+$0x0], $0xffff  }
0xa4: {  	s30 =	sadd.s32 s26, s20;
	s24 =	sadd.s32 s24, s28;
	s28 =	sand.u32 $0x70, s21;
	v17 =	vld.idx.msk [tilespmem:v17+s12+$0x0], $0xffff  }
0xa5: {  	s26 =	sadd.s32 s25, s29;
	s25 =	sadd.s32 s28, s30;
	[tilespmem:s24+$0x10] =	vst v18;
	v18 =	vld.idx.msk [tilespmem:v21+s12+$0x0], $0xffff  }
0xa6: {  	s23 =	sadd.s32 $0x2, s23;
	v19 =	vld.idx.msk [tilespmem:v19+s12+$0x0], $0xffff  }
0xa7: {  	_ =	sdelay $0x3  }
0xa8: {  	v14 =	vld.idx.msk [tilespmem:v14+s12+$0x0], $0xffff  }
0xa9: {  	v13 =	vld.idx.msk [tilespmem:v13+s12+$0x0], $0xffff  }
0xaa: {  	v11 =	vld.idx.msk [tilespmem:v11+s12+$0x0], $0xffff  }
0xab: {  	v10 =	vld.idx.msk [tilespmem:v10+s12+$0x0], $0xffff  }
0xac: {  	v9 =	vld.idx.msk [tilespmem:v9+s12+$0x0], $0xffff;
	v12 =	vadd.f32 v15, v12  }
0xad: {  	v8 =	vld.idx.msk [tilespmem:v8+s12+$0x0], $0xffff;
	v62 =	vadd.f32 v17, v16  }
0xae: {  	v63 =	vadd.f32 v19, v18;
	v12 =	vadd.f32 v14, v12  }
0xaf: {  	v13 =	vadd.f32 v13, v62  }
0xb0: {  	s19 =	sadd.s32 $0x1, s19;
	v11 =	vadd.f32 v11, v63;
	v10 =	vadd.f32 v10, v12  }
0xb1: {  	p0 =	sne.s32 s19, $0x8;
	v9 =	vadd.f32 v9, v13  }
.Ltmp2:
0xb2: {  	v8 =	vadd.f32 v8, v11;
	v10 =	vmul.f32 $2.500000000e-01, v10;
	(pc) =	sbr.rel @p0 .LBB2_2-.Ltmp2, $4  }
0xb3: {  	v9 =	vmul.f32 $2.500000000e-01, v9  }
0xb4: {  	v8 =	vmul.f32 $2.500000000e-01, v8;
	[tilespmem:s24+$0x0] =	vst v10  }
0xb5: {  	[tilespmem:s26+$0x0] =	vst v9  }
0xb6: {  	[tilespmem:s25+$0x0] =	vst v8  }
0xb7: {  	[hbm4b:s6+s10] =	stream.strided.scatter [tilespmem:s16], [sflag:$0x4], $0x4000, s11, s10, $0x38;
	[tilespmem:$0x1E700] =	vst v63  }
0xb8: {  	_ = 	snop  }
0xb9: {  	[tilespmem:s12], [sflag:$0x3] =	stream.strided.gather [hbm4b:s7+s10], $0x18700, s11, s10, $0x38;
	[tilespmem:$0x1E700] =	vst v63  }
0xba: {  	s19 =	simm.s32 $0x0  }
0xbb: {  	[tilespmem:s19], [sflag:$0x1] =	stream.linear.gather [hbm4b:s1+s19], $0x1000, $0x38;
	[tilespmem:$0x1E700] =	vst v63  }
0xbc: {  	_ =	swait.ge [sflag:s13], $0x18700  }
0xbd: {  	[sflag:s13] =	ssyncset.done $0x0  }
0xbe: {  	[sflag:s13] =	ssyncadd.s32 $0xFFFE7900  }
0xbf: {  	_ =	swait.ge [sflag:s17], $0x4000  }
0xc0: {  	[sflag:s17] =	ssyncset.done $0x0  }
0xc1: {  	[sflag:s17] =	ssyncadd.s32 $0xFFFFC000  }
.LBB2_8:
0xc2: {  	s20 =	sshllo.u32 s19, $0x1  }
0xc3: {  	s29 =	simm.s32 $0x80;
	s21 =	sshll.u32 s20, $0x9  }
0xc4: {  	s22 =	simm.s32 $0x0;
	s23 =	simm.s32 $0x1;
	v8 =	vor.u32 s29, v0;
	s21 =	sadd.s32 s1, s21  }
0xc5: {  	v9 =	vor.u32 s22, v4;
	[tilespmem:s14], [sflag:$0x2] =	stream.linear.gather [hbm4b:s21+s3], $0x1000, $0x38;
	[tilespmem:$0x1E700] =	vst v63  }
0xc6: {  	v10 =	vor.u32 s22, v5;
	_ =	swait.ge [sflag:s23], $0x1000  }
0xc7: {  	v11 =	vor.u32 s22, v0;
	[sflag:s23] =	ssyncset.done $0x0  }
0xc8: {  	v12 =	vor.u32 s22, v6;
	[sflag:s23] =	ssyncadd.s32 $0xFFFFF000  }
0xc9: {  	v13 =	vor.u32 s22, v1;
	v16 =	vld.idx.msk [tilespmem:v8+s3+$0x0], $0xffff  }
0xca: {  	v14 =	vor.u32 s29, v1;
	v8 =	vld.idx.msk [tilespmem:v9+s3+$0x0], $0xffff  }
0xcb: {  	v15 =	vor.u32 s29, v4;
	v10 =	vld.idx.msk [tilespmem:v10+s3+$0x0], $0xffff  }
0xcc: {  	v9 =	vor.u32 s22, v7;
	v17 =	vld.idx.msk [tilespmem:v11+s3+$0x0], $0xffff  }
0xcd: {  	v11 =	vld.idx.msk [tilespmem:v12+s3+$0x0], $0xffff;
	v12 =	vor.u32 s29, v5  }
0xce: {  	v18 =	vld.idx.msk [tilespmem:v13+s3+$0x0], $0xffff;
	v13 =	vor.u32 s22, v2  }
0xcf: {  	v19 =	vld.idx.msk [tilespmem:v14+s3+$0x0], $0xffff  }
0xd0: {  	v20 =	vld.idx.msk [tilespmem:v15+s3+$0x0], $0xffff  }
0xd1: {  	v15 =	vor.u32 s29, v2;
	v9 =	vld.idx.msk [tilespmem:v9+s3+$0x0], $0xffff  }
0xd2: {  	v22 =	vld.idx.msk [tilespmem:v12+s3+$0x0], $0xffff  }
0xd3: {  	v21 =	vor.u32 s29, v6;
	v14 =	vld.idx.msk [tilespmem:v13+s3+$0x0], $0xffff  }
0xd4: {  	v8 =	vld.idx.msk [tilespmem:v8+s12+$0x0], $0xffff  }
0xd5: {  	v10 =	vld.idx.msk [tilespmem:v10+s12+$0x0], $0xffff  }
0xd6: {  	v12 =	vor.u32 s22, v3;
	v13 =	vld.idx.msk [tilespmem:v15+s3+$0x0], $0xffff  }
0xd7: {  	v24 =	vor.u32 s29, v3;
	v23 =	vld.idx.msk [tilespmem:v11+s12+$0x0], $0xffff  }
0xd8: {  	v11 =	vld.idx.msk [tilespmem:v21+s3+$0x0], $0xffff  }
0xd9: {  	v25 =	vor.u32 s29, v7;
	v26 =	vld.idx.msk [tilespmem:v9+s12+$0x0], $0xffff  }
0xda: {  	v16 =	vld.idx.msk [tilespmem:v16+s12+$0x0], $0xffff;
	v8 =	vadd.f32 v10, v8  }
0xdb: {  	v10 =	vld.idx.msk [tilespmem:v12+s3+$0x0], $0xffff  }
0xdc: {  	s30 =	sshll.u32 s19, $0xB;
	s24 =	simm.s32 $0x0;
	v9 =	vld.idx.msk [tilespmem:v24+s3+$0x0], $0xffff;
	v15 =	vadd.f32 v23, v8  }
0xdd: {  	s25 =	simm.s32 $0x20;
	s28 =	sand.u32 $0x380, s24;
	s21 =	sand.u32 $0x3FFFF800, s30;
	v12 =	vld.idx.msk [tilespmem:v17+s12+$0x0], $0xffff  }
0xde: {  	s24 =	sand.u32 $0x40, s24;
	s30 =	sand.u32 $0x60, s25;
	s21 =	sadd.s32 $0x1A700, s21;
	v8 =	vld.idx.msk [tilespmem:v25+s3+$0x0], $0xffff;
	v17 =	vadd.f32 v26, v15  }
0xdf: {  	s31 =	sadd.s32 s28, s21;
	s23 =	simm.s32 $0x0;
	s22 =	simm.s32 $0x30;
	v15 =	vld.idx.msk [tilespmem:v18+s12+$0x0], $0xffff  }
0xe0: {  	s29 =	sand.u32 $0x380, s25;
	s25 =	sadd.s32 s24, s31;
	s26 =	sand.u32 $0x380, s22;
	v18 =	vld.idx.msk [tilespmem:v20+s12+$0x0], $0xffff;
	v63 =	vmul.f32 $2.500000000e-01, v17  }
0xe1: {  	s28 =	sadd.s32 s29, s21;
	s31 =	sand.u32 $0x70, s22;
	s26 =	sadd.s32 s26, s21;
	v17 =	vld.idx.msk [tilespmem:v19+s12+$0x0], $0xffff  }
0xe2: {  	s24 =	simm.s32 $0x3;
	s28 =	sadd.s32 s30, s28;
	s26 =	sadd.s32 s31, s26;
	v19 =	vld.idx.msk [tilespmem:v22+s12+$0x0], $0xffff;
	[tilespmem:s25+$0x10] =	vst v63  }
.LBB2_9:
0xe3: {  	s29 =	sshll.u32 s24, $0x7;
	v14 =	vld.idx.msk [tilespmem:v14+s12+$0x0], $0xffff  }
0xe4: {  	s23 =	sadd.s32 $0x4, s23;
	s30 =	sadd.s32 $0xFFFFFF80, s29;
	v20 =	vor.u32 s29, v0;
	v21 =	vor.u32 s29, v1;
	v22 =	vor.u32 s29, v4;
	v13 =	vld.idx.msk [tilespmem:v13+s12+$0x0], $0xffff  }
0xe5: {  	p0 =	slt.u32 s23, $0x3C;
	v23 =	vor.u32 s30, v0;
	v24 =	vor.u32 s30, v1;
	v25 =	vor.u32 s30, v4;
	v11 =	vld.idx.msk [tilespmem:v11+s12+$0x0], $0xffff  }
0xe6: {  	v28 =	vor.u32 s29, v5;
	v26 =	vor.u32 s30, v2;
	v27 =	vor.u32 s30, v5;
	v10 =	vld.idx.msk [tilespmem:v10+s12+$0x0], $0xffff  }
0xe7: {  	v30 =	vor.u32 s29, v2;
	v31 =	vor.u32 s29, v6;
	v29 =	vor.u32 s30, v3;
	v9 =	vld.idx.msk [tilespmem:v9+s12+$0x0], $0xffff  }
0xe8: {  	v33 =	vor.u32 s29, v3;
	v34 =	vor.u32 s29, v7;
	v32 =	vor.u32 s30, v6;
	v8 =	vld.idx.msk [tilespmem:v8+s12+$0x0], $0xffff  }
0xe9: {  	v12 =	vadd.f32 v15, v12;
	v15 =	vadd.f32 v17, v16;
	v20 =	vld.idx.msk [tilespmem:v20+s3+$0x0], $0xffff  }
0xea: {  	v17 =	vor.u32 s30, v7;
	v18 =	vadd.f32 v19, v18;
	v16 =	vld.idx.msk [tilespmem:v25+s3+$0x0], $0xffff  }
0xeb: {  	v12 =	vadd.f32 v14, v12;
	v13 =	vadd.f32 v13, v15;
	v19 =	vld.idx.msk [tilespmem:v27+s3+$0x0], $0xffff  }
0xec: {  	v11 =	vadd.f32 v11, v18;
	v15 =	vld.idx.msk [tilespmem:v23+s3+$0x0], $0xffff  }
0xed: {  	v10 =	vadd.f32 v10, v12;
	v9 =	vadd.f32 v9, v13;
	v14 =	vld.idx.msk [tilespmem:v32+s3+$0x0], $0xffff  }
0xee: {  	v8 =	vadd.f32 v8, v11;
	v18 =	vld.idx.msk [tilespmem:v24+s3+$0x0], $0xffff  }
0xef: {  	v10 =	vmul.f32 $2.500000000e-01, v10;
	v9 =	vmul.f32 $2.500000000e-01, v9;
	v11 =	vld.idx.msk [tilespmem:v17+s3+$0x0], $0xffff  }
0xf0: {  	v8 =	vmul.f32 $2.500000000e-01, v8;
	v17 =	vld.idx.msk [tilespmem:v21+s3+$0x0], $0xffff  }
0xf1: {  	v21 =	vld.idx.msk [tilespmem:v22+s3+$0x0], $0xffff;
	[tilespmem:s25+$0x0] =	vst v10  }
0xf2: {  	v10 =	vld.idx.msk [tilespmem:v16+s12+$0x0], $0xffff;
	[tilespmem:s28+$0x0] =	vst v9  }
0xf3: {  	v9 =	vld.idx.msk [tilespmem:v19+s12+$0x0], $0xffff;
	[tilespmem:s26+$0x0] =	vst v8  }
0xf4: {  	v19 =	vld.idx.msk [tilespmem:v28+s3+$0x0], $0xffff  }
0xf5: {  	v8 =	vld.idx.msk [tilespmem:v14+s12+$0x0], $0xffff  }
0xf6: {  	v14 =	vld.idx.msk [tilespmem:v26+s3+$0x0], $0xffff  }
0xf7: {  	v16 =	vld.idx.msk [tilespmem:v11+s12+$0x0], $0xffff  }
0xf8: {  	v13 =	vld.idx.msk [tilespmem:v30+s3+$0x0], $0xffff  }
0xf9: {  	v9 =	vadd.f32 v9, v10;
	v11 =	vld.idx.msk [tilespmem:v31+s3+$0x0], $0xffff  }
0xfa: {  	v10 =	vld.idx.msk [tilespmem:v29+s3+$0x0], $0xffff  }
0xfb: {  	s22 =	sadd.s32 $0x40, s22;
	v22 =	vadd.f32 v8, v9;
	v9 =	vld.idx.msk [tilespmem:v33+s3+$0x0], $0xffff  }
0xfc: {  	s25 =	sadd.s32 $0xFFFFFFD0, s22;
	v8 =	vld.idx.msk [tilespmem:v34+s3+$0x0], $0xffff  }
0xfd: {  	s28 =	sand.u32 $0x380, s22;
	s29 =	sand.u32 $0x380, s25;
	s26 =	sadd.s32 $0xFFFFFFF0, s22;
	v16 =	vadd.f32 v16, v22;
	v12 =	vld.idx.msk [tilespmem:v15+s12+$0x0], $0xffff  }
.Ltmp3:
0xfe: {  	s30 =	sand.u32 $0x380, s26;
	s26 =	sand.u32 $0x60, s26;
	v15 =	vld.idx.msk [tilespmem:v18+s12+$0x0], $0xffff;
	(pc) =	sbr.rel @p0 .LBB2_9-.Ltmp3, $4  }
0xff: {  	s25 =	sand.u32 $0x40, s25;
	s29 =	sadd.s32 s29, s21;
	s30 =	sadd.s32 s30, s21;
	v18 =	vmul.f32 $2.500000000e-01, v16;
	v16 =	vld.idx.msk [tilespmem:v20+s12+$0x0], $0xffff  }
0x100: {  	s31 =	sadd.s32 s28, s21;
	s25 =	sadd.s32 s25, s29;
	s29 =	sand.u32 $0x70, s22;
	v17 =	vld.idx.msk [tilespmem:v17+s12+$0x0], $0xffff  }
0x101: {  	s28 =	sadd.s32 s26, s30;
	s26 =	sadd.s32 s29, s31;
	[tilespmem:s25+$0x10] =	vst v18;
	v18 =	vld.idx.msk [tilespmem:v21+s12+$0x0], $0xffff  }
0x102: {  	s24 =	sadd.s32 $0x2, s24;
	v19 =	vld.idx.msk [tilespmem:v19+s12+$0x0], $0xffff  }
0x103: {  	_ =	sdelay $0x3  }
0x104: {  	v14 =	vld.idx.msk [tilespmem:v14+s12+$0x0], $0xffff  }
0x105: {  	v13 =	vld.idx.msk [tilespmem:v13+s12+$0x0], $0xffff  }
0x106: {  	v11 =	vld.idx.msk [tilespmem:v11+s12+$0x0], $0xffff  }
0x107: {  	v10 =	vld.idx.msk [tilespmem:v10+s12+$0x0], $0xffff  }
0x108: {  	v9 =	vld.idx.msk [tilespmem:v9+s12+$0x0], $0xffff;
	v12 =	vadd.f32 v15, v12  }
0x109: {  	v8 =	vld.idx.msk [tilespmem:v8+s12+$0x0], $0xffff;
	v15 =	vadd.f32 v17, v16  }
0x10a: {  	v16 =	vadd.f32 v19, v18;
	v12 =	vadd.f32 v14, v12  }
0x10b: {  	v13 =	vadd.f32 v13, v15  }
0x10c: {  	v11 =	vadd.f32 v11, v16;
	v10 =	vadd.f32 v10, v12  }
0x10d: {  	v9 =	vadd.f32 v9, v13  }
0x10e: {  	v8 =	vadd.f32 v8, v11;
	v10 =	vmul.f32 $2.500000000e-01, v10  }
0x10f: {  	v9 =	vmul.f32 $2.500000000e-01, v9  }
0x110: {  	p0 =	seq.s32 s19, $0x7;
	v8 =	vmul.f32 $2.500000000e-01, v8;
	[tilespmem:s25+$0x0] =	vst v10  }
0x111: {  	s22 =	simm.s32 $0x80;
	s21 =	sshll.u32 @!p0 s19, $0xA;
	[tilespmem:s28+$0x0] =	vst v9  }
0x112: {  	s24 =	simm.s32 $0x0;
	s23 =	simm.s32 @!p0 $0x0;
	s21 =	sadd.s32 @!p0 s21, s5;
	[tilespmem:s26+$0x0] =	vst v8;
	v8 =	vor.u32 s22, v0  }
0x113: {  	v9 =	vor.u32 s24, v4;
	[tilespmem:s23], [sflag:$0x1] =	stream.linear.gather @!p0 [hbm4b:s21+s23], $0x1000, $0x38;
	[tilespmem:$0x1E700] =	vst v63  }
0x114: {  	v10 =	vor.u32 s24, v5;
	_ =	swait.ge [sflag:s15], $0x1000  }
0x115: {  	v11 =	vor.u32 s24, v0;
	[sflag:s15] =	ssyncset.done $0x0  }
0x116: {  	v12 =	vor.u32 s24, v6;
	[sflag:s15] =	ssyncadd.s32 $0xFFFFF000  }
0x117: {  	v13 =	vor.u32 s24, v1;
	v16 =	vld.idx.msk [tilespmem:v8+s14+$0x0], $0xffff  }
0x118: {  	v14 =	vor.u32 s22, v1;
	v8 =	vld.idx.msk [tilespmem:v9+s14+$0x0], $0xffff  }
0x119: {  	v15 =	vor.u32 s22, v4;
	v10 =	vld.idx.msk [tilespmem:v10+s14+$0x0], $0xffff  }
0x11a: {  	v9 =	vor.u32 s24, v7;
	v17 =	vld.idx.msk [tilespmem:v11+s14+$0x0], $0xffff  }
0x11b: {  	v11 =	vld.idx.msk [tilespmem:v12+s14+$0x0], $0xffff;
	v12 =	vor.u32 s22, v5  }
0x11c: {  	v18 =	vld.idx.msk [tilespmem:v13+s14+$0x0], $0xffff;
	v13 =	vor.u32 s24, v2  }
0x11d: {  	v19 =	vld.idx.msk [tilespmem:v14+s14+$0x0], $0xffff  }
0x11e: {  	v20 =	vld.idx.msk [tilespmem:v15+s14+$0x0], $0xffff  }
0x11f: {  	v15 =	vor.u32 s22, v2;
	v9 =	vld.idx.msk [tilespmem:v9+s14+$0x0], $0xffff  }
0x120: {  	v22 =	vld.idx.msk [tilespmem:v12+s14+$0x0], $0xffff  }
0x121: {  	v21 =	vor.u32 s22, v6;
	v14 =	vld.idx.msk [tilespmem:v13+s14+$0x0], $0xffff  }
0x122: {  	v8 =	vld.idx.msk [tilespmem:v8+s12+$0x0], $0xffff  }
0x123: {  	v10 =	vld.idx.msk [tilespmem:v10+s12+$0x0], $0xffff  }
0x124: {  	v12 =	vor.u32 s24, v3;
	v13 =	vld.idx.msk [tilespmem:v15+s14+$0x0], $0xffff  }
0x125: {  	v24 =	vor.u32 s22, v3;
	v23 =	vld.idx.msk [tilespmem:v11+s12+$0x0], $0xffff  }
0x126: {  	v11 =	vld.idx.msk [tilespmem:v21+s14+$0x0], $0xffff  }
0x127: {  	v25 =	vor.u32 s22, v7;
	v26 =	vld.idx.msk [tilespmem:v9+s12+$0x0], $0xffff  }
0x128: {  	v16 =	vld.idx.msk [tilespmem:v16+s12+$0x0], $0xffff;
	v8 =	vadd.f32 v10, v8  }
0x129: {  	v10 =	vld.idx.msk [tilespmem:v12+s14+$0x0], $0xffff  }
0x12a: {  	s20 =	sshll.u32 s20, $0xA;
	s29 =	simm.s32 $0x20;
	v9 =	vld.idx.msk [tilespmem:v24+s14+$0x0], $0xffff;
	v15 =	vadd.f32 v23, v8  }
0x12b: {  	s20 =	sand.u32 $0x3FFFFC00, s20;
	s31 =	sand.u32 $0x380, s29;
	s26 =	simm.s32 $0x0;
	v12 =	vld.idx.msk [tilespmem:v17+s12+$0x0], $0xffff  }
0x12c: {  	s20 =	sadd.s32 $0x1A700, s20;
	s21 =	simm.s32 $0x30;
	s30 =	sand.u32 $0x380, s26;
	v8 =	vld.idx.msk [tilespmem:v25+s14+$0x0], $0xffff;
	v17 =	vadd.f32 v26, v15  }
0x12d: {  	s23 =	sand.u32 $0x40, s26;
	s25 =	sand.u32 $0x380, s21;
	s26 =	sadd.s32 s30, s20;
	v15 =	vld.idx.msk [tilespmem:v18+s12+$0x0], $0xffff  }
0x12e: {  	s30 =	sadd.s32 s31, s20;
	s31 =	sand.u32 $0x70, s21;
	s25 =	sadd.s32 s25, s20;
	v18 =	vld.idx.msk [tilespmem:v20+s12+$0x0], $0xffff;
	v63 =	vmul.f32 $2.500000000e-01, v17  }
0x12f: {  	s29 =	sand.u32 $0x60, s29;
	s25 =	sadd.s32 s31, s25;
	s24 =	sadd.s32 s23, s26;
	v17 =	vld.idx.msk [tilespmem:v19+s12+$0x0], $0xffff  }
0x130: {  	s22 =	simm.s32 $0x0;
	s26 =	sadd.s32 s29, s30;
	s23 =	simm.s32 $0x3;
	v19 =	vld.idx.msk [tilespmem:v22+s12+$0x0], $0xffff;
	[tilespmem:s24+$0x10] =	vst v63  }
.LBB2_11:
0x131: {  	s28 =	sshll.u32 s23, $0x7;
	v14 =	vld.idx.msk [tilespmem:v14+s12+$0x0], $0xffff  }
0x132: {  	s22 =	sadd.s32 $0x4, s22;
	s29 =	sadd.s32 $0xFFFFFF80, s28;
	v20 =	vor.u32 s28, v0;
	v21 =	vor.u32 s28, v1;
	v22 =	vor.u32 s28, v4;
	v13 =	vld.idx.msk [tilespmem:v13+s12+$0x0], $0xffff  }
0x133: {  	p0 =	slt.u32 s22, $0x3C;
	v23 =	vor.u32 s29, v0;
	v24 =	vor.u32 s29, v1;
	v25 =	vor.u32 s29, v4;
	v11 =	vld.idx.msk [tilespmem:v11+s12+$0x0], $0xffff  }
0x134: {  	v28 =	vor.u32 s28, v5;
	v26 =	vor.u32 s29, v2;
	v27 =	vor.u32 s29, v5;
	v10 =	vld.idx.msk [tilespmem:v10+s12+$0x0], $0xffff  }
0x135: {  	v30 =	vor.u32 s28, v2;
	v31 =	vor.u32 s28, v6;
	v29 =	vor.u32 s29, v3;
	v9 =	vld.idx.msk [tilespmem:v9+s12+$0x0], $0xffff  }
0x136: {  	v33 =	vor.u32 s28, v3;
	v34 =	vor.u32 s28, v7;
	v32 =	vor.u32 s29, v6;
	v8 =	vld.idx.msk [tilespmem:v8+s12+$0x0], $0xffff  }
0x137: {  	v12 =	vadd.f32 v15, v12;
	v15 =	vadd.f32 v17, v16;
	v20 =	vld.idx.msk [tilespmem:v20+s14+$0x0], $0xffff  }
0x138: {  	v17 =	vor.u32 s29, v7;
	v18 =	vadd.f32 v19, v18;
	v16 =	vld.idx.msk [tilespmem:v25+s14+$0x0], $0xffff  }
0x139: {  	v12 =	vadd.f32 v14, v12;
	v13 =	vadd.f32 v13, v15;
	v19 =	vld.idx.msk [tilespmem:v27+s14+$0x0], $0xffff  }
0x13a: {  	v11 =	vadd.f32 v11, v18;
	v15 =	vld.idx.msk [tilespmem:v23+s14+$0x0], $0xffff  }
0x13b: {  	v10 =	vadd.f32 v10, v12;
	v9 =	vadd.f32 v9, v13;
	v14 =	vld.idx.msk [tilespmem:v32+s14+$0x0], $0xffff  }
0x13c: {  	v8 =	vadd.f32 v8, v11;
	v18 =	vld.idx.msk [tilespmem:v24+s14+$0x0], $0xffff  }
0x13d: {  	v10 =	vmul.f32 $2.500000000e-01, v10;
	v9 =	vmul.f32 $2.500000000e-01, v9;
	v11 =	vld.idx.msk [tilespmem:v17+s14+$0x0], $0xffff  }
0x13e: {  	v8 =	vmul.f32 $2.500000000e-01, v8;
	v17 =	vld.idx.msk [tilespmem:v21+s14+$0x0], $0xffff  }
0x13f: {  	v21 =	vld.idx.msk [tilespmem:v22+s14+$0x0], $0xffff;
	[tilespmem:s24+$0x0] =	vst v10  }
0x140: {  	v10 =	vld.idx.msk [tilespmem:v16+s12+$0x0], $0xffff;
	[tilespmem:s26+$0x0] =	vst v9  }
0x141: {  	v9 =	vld.idx.msk [tilespmem:v19+s12+$0x0], $0xffff;
	[tilespmem:s25+$0x0] =	vst v8  }
0x142: {  	v19 =	vld.idx.msk [tilespmem:v28+s14+$0x0], $0xffff  }
0x143: {  	v8 =	vld.idx.msk [tilespmem:v14+s12+$0x0], $0xffff  }
0x144: {  	v14 =	vld.idx.msk [tilespmem:v26+s14+$0x0], $0xffff  }
0x145: {  	v16 =	vld.idx.msk [tilespmem:v11+s12+$0x0], $0xffff  }
0x146: {  	v13 =	vld.idx.msk [tilespmem:v30+s14+$0x0], $0xffff  }
0x147: {  	v9 =	vadd.f32 v9, v10;
	v11 =	vld.idx.msk [tilespmem:v31+s14+$0x0], $0xffff  }
0x148: {  	v10 =	vld.idx.msk [tilespmem:v29+s14+$0x0], $0xffff  }
0x149: {  	s21 =	sadd.s32 $0x40, s21;
	v22 =	vadd.f32 v8, v9;
	v9 =	vld.idx.msk [tilespmem:v33+s14+$0x0], $0xffff  }
0x14a: {  	s24 =	sadd.s32 $0xFFFFFFD0, s21;
	v8 =	vld.idx.msk [tilespmem:v34+s14+$0x0], $0xffff  }
0x14b: {  	s26 =	sand.u32 $0x380, s21;
	s28 =	sand.u32 $0x380, s24;
	s25 =	sadd.s32 $0xFFFFFFF0, s21;
	v16 =	vadd.f32 v16, v22;
	v12 =	vld.idx.msk [tilespmem:v15+s12+$0x0], $0xffff  }
.Ltmp4:
0x14c: {  	s29 =	sand.u32 $0x380, s25;
	s25 =	sand.u32 $0x60, s25;
	v15 =	vld.idx.msk [tilespmem:v18+s12+$0x0], $0xffff;
	(pc) =	sbr.rel @p0 .LBB2_11-.Ltmp4, $4  }
0x14d: {  	s24 =	sand.u32 $0x40, s24;
	s28 =	sadd.s32 s28, s20;
	s29 =	sadd.s32 s29, s20;
	v18 =	vmul.f32 $2.500000000e-01, v16;
	v16 =	vld.idx.msk [tilespmem:v20+s12+$0x0], $0xffff  }
0x14e: {  	s30 =	sadd.s32 s26, s20;
	s24 =	sadd.s32 s24, s28;
	s28 =	sand.u32 $0x70, s21;
	v17 =	vld.idx.msk [tilespmem:v17+s12+$0x0], $0xffff  }
0x14f: {  	s26 =	sadd.s32 s25, s29;
	s25 =	sadd.s32 s28, s30;
	[tilespmem:s24+$0x10] =	vst v18;
	v18 =	vld.idx.msk [tilespmem:v21+s12+$0x0], $0xffff  }
0x150: {  	s23 =	sadd.s32 $0x2, s23;
	v19 =	vld.idx.msk [tilespmem:v19+s12+$0x0], $0xffff  }
0x151: {  	_ =	sdelay $0x3  }
0x152: {  	v14 =	vld.idx.msk [tilespmem:v14+s12+$0x0], $0xffff  }
0x153: {  	v13 =	vld.idx.msk [tilespmem:v13+s12+$0x0], $0xffff  }
0x154: {  	v11 =	vld.idx.msk [tilespmem:v11+s12+$0x0], $0xffff  }
0x155: {  	v10 =	vld.idx.msk [tilespmem:v10+s12+$0x0], $0xffff  }
0x156: {  	v9 =	vld.idx.msk [tilespmem:v9+s12+$0x0], $0xffff;
	v12 =	vadd.f32 v15, v12  }
0x157: {  	v8 =	vld.idx.msk [tilespmem:v8+s12+$0x0], $0xffff;
	v62 =	vadd.f32 v17, v16  }
0x158: {  	v63 =	vadd.f32 v19, v18;
	v12 =	vadd.f32 v14, v12  }
0x159: {  	v13 =	vadd.f32 v13, v62  }
0x15a: {  	s19 =	sadd.s32 $0x1, s19;
	v11 =	vadd.f32 v11, v63;
	v10 =	vadd.f32 v10, v12  }
0x15b: {  	p0 =	sne.s32 s19, $0x8;
	v9 =	vadd.f32 v9, v13  }
.Ltmp5:
0x15c: {  	v8 =	vadd.f32 v8, v11;
	v10 =	vmul.f32 $2.500000000e-01, v10;
	(pc) =	sbr.rel @p0 .LBB2_8-.Ltmp5, $4  }
0x15d: {  	v9 =	vmul.f32 $2.500000000e-01, v9  }
0x15e: {  	v8 =	vmul.f32 $2.500000000e-01, v8;
	[tilespmem:s24+$0x0] =	vst v10  }
0x15f: {  	[tilespmem:s26+$0x0] =	vst v9  }
0x160: {  	[tilespmem:s25+$0x0] =	vst v8  }
0x161: {  	s18 =	sadd.s32 $0x1, s18  }
0x162: {  	p0 =	sne.s32 s18, s9  }
.Ltmp6:
0x163: {  	_ = 	snop;
	(pc) =	sbr.rel @p0 .LBB2_1-.Ltmp6, $4  }
0x164: {  	[hbm4b:s8+s10] =	stream.strided.scatter [tilespmem:s16], [sflag:$0x4], $0x4000, s11, s10, $0x38;
	[tilespmem:$0x1E700] =	vst v63  }
0x165: {  	_ =	swait.ge [sflag:s17], $0x4000  }
0x166: {  	[sflag:s17] =	ssyncset.done $0x0  }
0x167: {  	[sflag:s17] =	ssyncadd.s32 $0xFFFFC000  }
0x168: {  	_ =	sfence.sel $0x180000  }
0x169: {  	[bflag:$0x0] =	sbarrier.arrive $0xFFFF  }
0x16a: {  	p0 =	sne.s32 s0, $0x0;
	_ =	strace $0x90000047  }
0x16b: {  	s0 =	sadd.s32 @!p0 $0x100000, s2;
	[bflag:$0x2] =	sbarrier.arrive $0xFFFF  }
0x16c: {  	[sflag:s0] =	ssyncadd.tile.s32 @!p0 $0x1;
	_ =	shalt  }
.Lfunc_end2:
_tile_overlayer_lowered:
.L_overlay_start_2:
0x16d: {  	(tag) =	ssettag $0x2  }
0x16e: {  	s0 =	rddreg [dreg:$0x0];
	s2 =	stileid.u32  }
0x16f: {  	s1 =	rddreg [dreg:$0x1];
	p0 =	sne.s32 s2, $0x0  }
0x170: {  	s3 =	rddreg [dreg:$0x2];
	[bflag:$0x3] =	sbarrier.arrive $0xFFFF;
	s2 =	simm.s32 @!p0 $0x1C05  }
0x171: {  	[timem:s3], [sflag:s2] =	dma.local @!p0 [hbm:s0], s1  }
0x172: {  	s0 =	simm.s32 @!p0 $0x5  }
0x173: {  	_ =	swait.ge @!p0 [sflag:s0], s1  }
0x174: {  	s1 =	ssub.s32 @!p0 $0x0, s1;
	[sflag:s0] =	ssyncset.done @!p0 $0x0  }
0x175: {  	[sflag:s0] =	ssyncadd.s32 @!p0 s1  }
0x176: {  	[bflag:$0x3] =	sbarrier.arrive $0xFFFF  }
0x177: {  	_ =	shalt  }

</sc_bundles>
